<compile_context>
chip_gen: v7x
topology: tpu7x:2x2x1
jax: 0.10.2.dev20260603
libtpu: 0.0.44.dev20260713+nightly
codegen_flags: <defaults>
</compile_context>

<pallas_src>
import functools

import jax
import jax.numpy as jnp
from jax import lax
from jax.experimental import pallas as pl
from jax.experimental.pallas import tpu as pltpu
from jax.experimental.pallas import tpu_sc as plsc

NC = 2
NS = 16
NW = NC * NS


def _mm1_body(x_ref, w_ref, b_ref, o_ref):
    acc = jnp.dot(x_ref[...], w_ref[...], preferred_element_type=jnp.float32)
    o_ref[...] = jnp.maximum(acc + b_ref[...], 0.0)


def _mm2_body(p_ref, h_ref, w_ref, b_ref, o_ref):
    agg = p_ref[0] + p_ref[1]
    acc = jnp.dot(agg, w_ref[...], preferred_element_type=jnp.float32)
    o_ref[...] = jnp.maximum(acc + b_ref[...], 0.0) + h_ref[...]


def _sc_agg(h, src3, dst3, pad_n, k, ch):
    n, d = h.shape
    rpt = pad_n // NS
    mesh = plsc.VectorSubcoreMesh(core_axis_name="c", subcore_axis_name="s")

    @functools.partial(
        pl.kernel,
        out_type=jax.ShapeDtypeStruct((NC, pad_n, d), jnp.float32),
        mesh=mesh,
        scratch_types=[
            pltpu.VMEM((ch + 3, k), jnp.int32),
            pltpu.VMEM((k, d), jnp.float32),
            pltpu.VMEM((k, d), jnp.float32),
            pltpu.VMEM((k, d), jnp.float32),
            pltpu.VMEM_SHARED((pad_n, d), jnp.float32),
            pltpu.SemaphoreType.DMA,
            pltpu.SemaphoreType.DMA,
            pltpu.SemaphoreType.DMA,
            pltpu.SemaphoreType.DMA,
            pltpu.SemaphoreType.DMA,
            pltpu.SemaphoreType.DMA,
        ],
    )
    def agg_kernel(h_hbm, src_hbm, dst_hbm, out_hbm,
                   src_v, rows0, rows1, rows2, shared,
                   gsem0, gsem1, gsem2, dsem0, dsem1, dsem2):
        cid = lax.axis_index("c")
        sid = lax.axis_index("s")
        row0 = sid * rpt

        @pl.loop(0, k)
        def _(r):
            @pl.loop(0, d, step=16)
            def _(c0):
                rows0[r, pl.ds(c0, 16)] = jnp.zeros((16,), jnp.float32)

        nfull, rem = divmod(rpt, k)

        @pl.loop(0, nfull * k, step=k)
        def _(r):
            pltpu.sync_copy(rows0, shared.at[pl.ds(row0 + r, k)])

        if rem:
            pltpu.sync_copy(rows0.at[pl.ds(0, rem)],
                            shared.at[pl.ds(row0 + nfull * k, rem)])

        gwid = sid * NC + cid
        pltpu.sync_copy(src_hbm.at[gwid], src_v.at[pl.ds(0, ch)])

        plsc.subcore_barrier()

        rows = (rows0, rows1, rows2)
        gsem = (gsem0, gsem1, gsem2)
        dsem = (dsem0, dsem1, dsem2)
        nb = len(rows)
        for b in range(nb):
            pltpu.async_copy(dst_hbm.at[gwid, b], src_v.at[ch + b], dsem[b])
            pltpu.async_copy(h_hbm.at[src_v.at[b]], rows[b], gsem[b])

        @pl.loop(0, ch, step=nb)
        def _(j):
            for b in range(nb):
                pltpu.make_async_copy(dst_hbm.at[gwid, j + b],
                                      src_v.at[ch + b], dsem[b]).wait()
                pltpu.make_async_copy(h_hbm.at[src_v.at[j + b]],
                                      rows[b], gsem[b]).wait()
                pltpu.sync_copy(rows[b], shared.at[src_v.at[ch + b]], add=True)

                @pl.when(j + b + nb < ch)
                def _():
                    pltpu.async_copy(dst_hbm.at[gwid, j + b + nb],
                                     src_v.at[ch + b], dsem[b])
                    pltpu.async_copy(h_hbm.at[src_v.at[j + b + nb]],
                                     rows[b], gsem[b])

        plsc.subcore_barrier()

        pltpu.sync_copy(shared.at[pl.ds(row0, rpt)],
                        out_hbm.at[cid, pl.ds(row0, rpt)])

    return agg_kernel(h, src3, dst3)


def kernel(x, edge_index, W1, b1, W2, b2):
    n, d = x.shape
    e = edge_index.shape[1]

    k = 88
    ch = -(-e // (NW * k * 3)) * 3
    e_pad = NW * ch * k
    pad_n = ((n + 127) // 128) * 128

    src = jnp.concatenate(
        [edge_index[0], jnp.zeros((e_pad - e,), jnp.int32)]).reshape(NW, ch, k)
    dst = jnp.concatenate(
        [edge_index[1], jnp.full((e_pad - e,), n, jnp.int32)]).reshape(NW, ch, k)

    bn = 1000
    grid = (n // bn,)
    b1r = b1.reshape(1, d)
    b2r = b2.reshape(1, d)

    h = pl.pallas_call(
        _mm1_body,
        grid=grid,
        in_specs=[
            pl.BlockSpec((bn, d), lambda i: (i, 0)),
            pl.BlockSpec((d, d), lambda i: (0, 0)),
            pl.BlockSpec((1, d), lambda i: (0, 0)),
        ],
        out_specs=pl.BlockSpec((bn, d), lambda i: (i, 0)),
        out_shape=jax.ShapeDtypeStruct((n, d), jnp.float32),
    )(x, W1, b1r)

    partials = _sc_agg(h, src, dst, pad_n, k, ch)

    out = pl.pallas_call(
        _mm2_body,
        grid=grid,
        in_specs=[
            pl.BlockSpec((NC, bn, d), lambda i: (0, i, 0)),
            pl.BlockSpec((bn, d), lambda i: (i, 0)),
            pl.BlockSpec((d, d), lambda i: (0, 0)),
            pl.BlockSpec((1, d), lambda i: (0, 0)),
        ],
        out_specs=pl.BlockSpec((bn, d), lambda i: (i, 0)),
        out_shape=jax.ShapeDtypeStruct((n, d), jnp.float32),
    )(partials, h, W2, b2r)

    return out

# --- scband reference (transcript-rebuilt; emitter-appended) ---
"""Pipeline reference for scband-frenet-path-multi-target-gcn-45535243272608 (READ-ONLY COPY).

The authoritative reference and input builder live on the scoring server;
editing this copy changes nothing except your own understanding.
"""

import jax, jax.numpy as jnp
import numpy as np

N = 10000
E = 320000
D = 128


def setup_inputs(seed: int = 0) -> dict:
    key = jax.random.key(seed)
    k1, k2, k3, k4 = jax.random.split(key, 4)
    x = jax.random.normal(k1, (N, D), dtype=jnp.float32)
    edge_index = jax.random.randint(k2, (2, E), 0, N, dtype=jnp.int32)
    scale = 1.0 / np.sqrt(D)
    W1 = jax.random.normal(k3, (D, D), dtype=jnp.float32) * scale
    b1 = jnp.zeros((D,), dtype=jnp.float32)
    W2 = jax.random.normal(k4, (D, D), dtype=jnp.float32) * scale
    b2 = jnp.zeros((D,), dtype=jnp.float32)
    return {"x": x, "edge_index": edge_index, "W1": W1, "b1": b1, "W2": W2, "b2": b2}


def reference(x, edge_index, W1, b1, W2, b2):
    # MapNet/M2M-style message passing core (LaneGCN-family, as used inside
    # FrenetPathMultiTargetGCN): node encode -> gather along src ->
    # scatter-add into dst -> transform -> residual.
    h = jax.nn.relu(x @ W1 + b1)
    src = edge_index[0]
    dst = edge_index[1]
    msg = jnp.take(h, src, axis=0)
    agg = jnp.zeros_like(h).at[dst].add(msg)
    out = jax.nn.relu(agg @ W2 + b2) + h
    return out

if __name__ == "__main__":
    import jax
    _d = setup_inputs()
    print(jax.jit(kernel)(*tuple(_d.values())))

</pallas_src>

<mosaic_0001>
#map = affine_map<(d0, d1) -> (0, 0)>
#map1 = affine_map<(d0, d1) -> (0, 0, 0)>
module attributes {stable_mosaic.version = 14 : i64} {
  func.func @agg_kernel(%arg0: i32, %arg1: i32, %arg2: memref<10000x128xf32, #tpu.memory_space<hbm>>, %arg3: memref<32x114x88xi32, #tpu.memory_space<hbm>>, %arg4: memref<32x114x88xi32, #tpu.memory_space<hbm>>, %arg5: memref<2x10112x128xf32, #tpu.memory_space<hbm>>, %arg6: memref<117x88xi32, #tpu.memory_space<vmem>>, %arg7: memref<88x128xf32, #tpu.memory_space<vmem>>, %arg8: memref<88x128xf32, #tpu.memory_space<vmem>>, %arg9: memref<88x128xf32, #tpu.memory_space<vmem>>, %arg10: memref<10112x128xf32, #tpu.memory_space<vmem_shared>>, %arg11: memref<!tpu.dma_semaphore, #tpu.memory_space<semaphore_mem>>, %arg12: memref<!tpu.dma_semaphore, #tpu.memory_space<semaphore_mem>>, %arg13: memref<!tpu.dma_semaphore, #tpu.memory_space<semaphore_mem>>, %arg14: memref<!tpu.dma_semaphore, #tpu.memory_space<semaphore_mem>>, %arg15: memref<!tpu.dma_semaphore, #tpu.memory_space<semaphore_mem>>, %arg16: memref<!tpu.dma_semaphore, #tpu.memory_space<semaphore_mem>>) attributes {dimension_semantics = [#tpu.dimension_semantics<core_parallel>, #tpu.dimension_semantics<subcore_parallel>], iteration_bounds = array<i64: 2, 16>, scalar_prefetch = 0 : i64, scratch_operands = 11 : i64, tpu.core_type = #tpu.core_type<sc_vector_subcore>, window_params = [{transform_indices = #map}, {transform_indices = #map1}, {transform_indices = #map1}, {transform_indices = #map1}]} {
    %mul3A = arith.constant 632 : i32
    %mul3A_0 = arith.muli %arg1, %mul3A : i32
    %scan3A = arith.constant 0 : i32
    %scan3A_1 = arith.constant 88 : i32
    %scan3A_2 = arith.addi %scan3A, %scan3A_1 : i32
    %scan3A_3 = arith.constant 1 : i32
    scf.for %scan3A_82 = %scan3A to %scan3A_2 step %scan3A_3  : i32 {
      %mul3A_83 = arith.constant 1 : i32
      %mul3A_84 = arith.muli %scan3A_82, %mul3A_83 : i32
      %add3A_85 = arith.constant 0 : i32
      %add3A_86 = arith.addi %add3A_85, %mul3A_84 : i32
      %scan3A_87 = arith.constant 0 : i32
      %scan3A_88 = arith.constant 8 : i32
      %scan3A_89 = arith.addi %scan3A_87, %scan3A_88 : i32
      %scan3A_90 = arith.constant 1 : i32
      scf.for %scan3A_92 = %scan3A_87 to %scan3A_89 step %scan3A_90  : i32 {
        %mul3A_93 = arith.constant 16 : i32
        %mul3A_94 = arith.muli %scan3A_92, %mul3A_93 : i32
        %add3A_95 = arith.constant 0 : i32
        %add3A_96 = arith.addi %add3A_95, %mul3A_94 : i32
        %broadcast_in_dim3A = arith.constant 0.000000e+00 : f32
        %broadcast_in_dim3A_97 = vector.broadcast %broadcast_in_dim3A : f32 to vector<16xf32>
        %swap3A = arith.index_cast %add3A_86 : i32 to index
        %swap3A_98 = arith.index_cast %add3A_96 : i32 to index
        %swap3A_99 = tpu.vector_load %arg7[%swap3A, %swap3A_98] {strides = array<i32>} : memref<88x128xf32, #tpu.memory_space<vmem>>, vector<1x16xf32>,
        %swap3A_100 = vector.shape_cast %swap3A_99 : vector<1x16xf32> to vector<16xf32>
        %swap3A_101 = vector.shape_cast %broadcast_in_dim3A_97 : vector<16xf32> to vector<1x16xf32>
        tpu.vector_store %arg7[%swap3A, %swap3A_98], %swap3A_101 {strides = array<i32>} : memref<88x128xf32, #tpu.memory_space<vmem>>, vector<1x16xf32>,
      }
      %scan3A_91 = arith.constant 8 : i32
    }
    %scan3A_4 = arith.constant 88 : i32
    %scan3A_5 = arith.constant 0 : i32
    %scan3A_6 = arith.constant 7 : i32
    %scan3A_7 = arith.addi %scan3A_5, %scan3A_6 : i32
    %scan3A_8 = arith.constant 1 : i32
    scf.for %scan3A_82 = %scan3A_5 to %scan3A_7 step %scan3A_8  : i32 {
      %mul3A_83 = arith.constant 88 : i32
      %mul3A_84 = arith.muli %scan3A_82, %mul3A_83 : i32
      %add3A_85 = arith.constant 0 : i32
      %add3A_86 = arith.addi %add3A_85, %mul3A_84 : i32
      %add3A_87 = arith.addi %mul3A_0, %add3A_86 : i32
      "tpu.region"() ({
        %run_scoped3A = tpu.sem_alloc : memref<!tpu.dma_semaphore, #tpu.memory_space<semaphore_mem>>
        %dma_start3A_88 = arith.constant 0 : i32
        %dma_start3A_89 = tpu.memref_slice %arg10[%add3A_87, %dma_start3A_88] : memref<10112x128xf32, #tpu.memory_space<vmem_shared>> -> memref<88x128xf32, #tpu.memory_space<vmem_shared>>
        %dma_start3A_90 = arith.constant 0 : i32
        %dma_start3A_91 = tpu.memref_slice %arg10[%add3A_87, %dma_start3A_90] : memref<10112x128xf32, #tpu.memory_space<vmem_shared>> -> memref<88x128xf32, #tpu.memory_space<vmem_shared>>
        tpu.enqueue_dma source(%arg7 : memref<88x128xf32, #tpu.memory_space<vmem>>) target(%dma_start3A_91 : memref<88x128xf32, #tpu.memory_space<vmem_shared>>) target_semaphore(%run_scoped3A : memref<!tpu.dma_semaphore, #tpu.memory_space<semaphore_mem>>)
        %dma_wait3A = arith.constant 0 : i32
        %dma_wait3A_92 = tpu.memref_slice %arg10[%add3A_87, %dma_wait3A] : memref<10112x128xf32, #tpu.memory_space<vmem_shared>> -> memref<88x128xf32, #tpu.memory_space<vmem_shared>>
        %dma_wait3A_93 = arith.constant 0 : i32
        %dma_wait3A_94 = tpu.memref_slice %arg10[%add3A_87, %dma_wait3A_93] : memref<10112x128xf32, #tpu.memory_space<vmem_shared>> -> memref<88x128xf32, #tpu.memory_space<vmem_shared>>
        tpu.wait_dma2 semaphore(%run_scoped3A : memref<!tpu.dma_semaphore, #tpu.memory_space<semaphore_mem>>) src(%arg7 : memref<88x128xf32, #tpu.memory_space<vmem>>) dst(%dma_wait3A_94 : memref<88x128xf32, #tpu.memory_space<vmem_shared>>)
        tpu.yield
      }) : () -> ()
    }
    %scan3A_9 = arith.constant 7 : i32
    %add3A = arith.constant 616 : i32
    %add3A_10 = arith.addi %mul3A_0, %add3A : i32
    "tpu.region"() ({
      %run_scoped3A = tpu.sem_alloc : memref<!tpu.dma_semaphore, #tpu.memory_space<semaphore_mem>>
      %dma_start3A_82 = arith.constant 0 : i32
      %dma_start3A_83 = arith.constant 0 : i32
      %dma_start3A_84 = tpu.memref_slice %arg7[%dma_start3A_82, %dma_start3A_83] : memref<88x128xf32, #tpu.memory_space<vmem>> -> memref<16x128xf32, #tpu.memory_space<vmem>>
      %dma_start3A_85 = arith.constant 0 : i32
      %dma_start3A_86 = tpu.memref_slice %arg10[%add3A_10, %dma_start3A_85] : memref<10112x128xf32, #tpu.memory_space<vmem_shared>> -> memref<16x128xf32, #tpu.memory_space<vmem_shared>>
      %dma_start3A_87 = arith.constant 0 : i32
      %dma_start3A_88 = tpu.memref_slice %arg10[%add3A_10, %dma_start3A_87] : memref<10112x128xf32, #tpu.memory_space<vmem_shared>> -> memref<16x128xf32, #tpu.memory_space<vmem_shared>>
      %dma_start3A_89 = arith.constant 0 : i32
      %dma_start3A_90 = arith.constant 0 : i32
      %dma_start3A_91 = tpu.memref_slice %arg7[%dma_start3A_89, %dma_start3A_90] : memref<88x128xf32, #tpu.memory_space<vmem>> -> memref<16x128xf32, #tpu.memory_space<vmem>>
      tpu.enqueue_dma source(%dma_start3A_91 : memref<16x128xf32, #tpu.memory_space<vmem>>) target(%dma_start3A_88 : memref<16x128xf32, #tpu.memory_space<vmem_shared>>) target_semaphore(%run_scoped3A : memref<!tpu.dma_semaphore, #tpu.memory_space<semaphore_mem>>)
      %dma_wait3A = arith.constant 0 : i32
      %dma_wait3A_92 = arith.constant 0 : i32
      %dma_wait3A_93 = tpu.memref_slice %arg7[%dma_wait3A, %dma_wait3A_92] : memref<88x128xf32, #tpu.memory_space<vmem>> -> memref<16x128xf32, #tpu.memory_space<vmem>>
      %dma_wait3A_94 = arith.constant 0 : i32
      %dma_wait3A_95 = tpu.memref_slice %arg10[%add3A_10, %dma_wait3A_94] : memref<10112x128xf32, #tpu.memory_space<vmem_shared>> -> memref<16x128xf32, #tpu.memory_space<vmem_shared>>
      %dma_wait3A_96 = arith.constant 0 : i32
      %dma_wait3A_97 = tpu.memref_slice %arg10[%add3A_10, %dma_wait3A_96] : memref<10112x128xf32, #tpu.memory_space<vmem_shared>> -> memref<16x128xf32, #tpu.memory_space<vmem_shared>>
      %dma_wait3A_98 = arith.constant 0 : i32
      %dma_wait3A_99 = arith.constant 0 : i32
      %dma_wait3A_100 = tpu.memref_slice %arg7[%dma_wait3A_98, %dma_wait3A_99] : memref<88x128xf32, #tpu.memory_space<vmem>> -> memref<16x128xf32, #tpu.memory_space<vmem>>
      tpu.wait_dma2 semaphore(%run_scoped3A : memref<!tpu.dma_semaphore, #tpu.memory_space<semaphore_mem>>) src(%dma_wait3A_100 : memref<16x128xf32, #tpu.memory_space<vmem>>) dst(%dma_wait3A_97 : memref<16x128xf32, #tpu.memory_space<vmem_shared>>)
      tpu.yield
    }) : () -> ()
    %mul3A_11 = arith.constant 2 : i32
    %mul3A_12 = arith.muli %arg1, %mul3A_11 : i32
    %add3A_13 = arith.addi %mul3A_12, %arg0 : i32
    "tpu.region"() ({
      %run_scoped3A = tpu.sem_alloc : memref<!tpu.dma_semaphore, #tpu.memory_space<semaphore_mem>>
      %dma_start3A_82 = arith.constant 0 : i32
      %dma_start3A_83 = arith.constant 0 : i32
      %dma_start3A_84 = tpu.memref_slice %arg6[%dma_start3A_82, %dma_start3A_83] : memref<117x88xi32, #tpu.memory_space<vmem>> -> memref<114x88xi32, #tpu.memory_space<vmem>>
      %dma_start3A_85 = arith.constant 0 : i32
      %dma_start3A_86 = arith.constant 0 : i32
      %dma_start3A_87 = tpu.memref_slice %arg3[%add3A_13, %dma_start3A_85, %dma_start3A_86] : memref<32x114x88xi32, #tpu.memory_space<hbm>> -> memref<1x114x88xi32, #tpu.memory_space<hbm>>
      %dma_start3A_88 = tpu.memref_squeeze %dma_start3A_87 : memref<1x114x88xi32, #tpu.memory_space<hbm>> -> memref<114x88xi32, #tpu.memory_space<hbm>>
      %dma_start3A_89 = arith.constant 0 : i32
      %dma_start3A_90 = arith.constant 0 : i32
      %dma_start3A_91 = tpu.memref_slice %arg6[%dma_start3A_89, %dma_start3A_90] : memref<117x88xi32, #tpu.memory_space<vmem>> -> memref<114x88xi32, #tpu.memory_space<vmem>>
      %dma_start3A_92 = arith.constant 0 : i32
      %dma_start3A_93 = arith.constant 0 : i32
      %dma_start3A_94 = tpu.memref_slice %arg3[%add3A_13, %dma_start3A_92, %dma_start3A_93] : memref<32x114x88xi32, #tpu.memory_space<hbm>> -> memref<1x114x88xi32, #tpu.memory_space<hbm>>
      %dma_start3A_95 = tpu.memref_squeeze %dma_start3A_94 : memref<1x114x88xi32, #tpu.memory_space<hbm>> -> memref<114x88xi32, #tpu.memory_space<hbm>>
      tpu.enqueue_dma source(%dma_start3A_95 : memref<114x88xi32, #tpu.memory_space<hbm>>) target(%dma_start3A_91 : memref<114x88xi32, #tpu.memory_space<vmem>>) target_semaphore(%run_scoped3A : memref<!tpu.dma_semaphore, #tpu.memory_space<semaphore_mem>>)
      %dma_wait3A = arith.constant 0 : i32
      %dma_wait3A_96 = arith.constant 0 : i32
      %dma_wait3A_97 = tpu.memref_slice %arg6[%dma_wait3A, %dma_wait3A_96] : memref<117x88xi32, #tpu.memory_space<vmem>> -> memref<114x88xi32, #tpu.memory_space<vmem>>
      %dma_wait3A_98 = arith.constant 0 : i32
      %dma_wait3A_99 = arith.constant 0 : i32
      %dma_wait3A_100 = tpu.memref_slice %arg3[%add3A_13, %dma_wait3A_98, %dma_wait3A_99] : memref<32x114x88xi32, #tpu.memory_space<hbm>> -> memref<1x114x88xi32, #tpu.memory_space<hbm>>
      %dma_wait3A_101 = tpu.memref_squeeze %dma_wait3A_100 : memref<1x114x88xi32, #tpu.memory_space<hbm>> -> memref<114x88xi32, #tpu.memory_space<hbm>>
      %dma_wait3A_102 = arith.constant 0 : i32
      %dma_wait3A_103 = arith.constant 0 : i32
      %dma_wait3A_104 = tpu.memref_slice %arg6[%dma_wait3A_102, %dma_wait3A_103] : memref<117x88xi32, #tpu.memory_space<vmem>> -> memref<114x88xi32, #tpu.memory_space<vmem>>
      %dma_wait3A_105 = arith.constant 0 : i32
      %dma_wait3A_106 = arith.constant 0 : i32
      %dma_wait3A_107 = tpu.memref_slice %arg3[%add3A_13, %dma_wait3A_105, %dma_wait3A_106] : memref<32x114x88xi32, #tpu.memory_space<hbm>> -> memref<1x114x88xi32, #tpu.memory_space<hbm>>
      %dma_wait3A_108 = tpu.memref_squeeze %dma_wait3A_107 : memref<1x114x88xi32, #tpu.memory_space<hbm>> -> memref<114x88xi32, #tpu.memory_space<hbm>>
      tpu.wait_dma2 semaphore(%run_scoped3A : memref<!tpu.dma_semaphore, #tpu.memory_space<semaphore_mem>>) src(%dma_wait3A_108 : memref<114x88xi32, #tpu.memory_space<hbm>>) dst(%dma_wait3A_104 : memref<114x88xi32, #tpu.memory_space<vmem>>)
      tpu.yield
    }) : () -> ()
    %barrier3A = arith.constant 0 : index
    tpu.barrier barrier_id(%barrier3A)
    %dma_start3A = arith.constant 0 : i32
    %dma_start3A_14 = arith.constant 114 : i32
    %dma_start3A_15 = arith.constant 0 : i32
    %dma_start3A_16 = tpu.memref_slice %arg6[%dma_start3A_14, %dma_start3A_15] : memref<117x88xi32, #tpu.memory_space<vmem>> -> memref<1x88xi32, #tpu.memory_space<vmem>>
    %dma_start3A_17 = tpu.memref_squeeze %dma_start3A_16 : memref<1x88xi32, #tpu.memory_space<vmem>> -> memref<88xi32, #tpu.memory_space<vmem>>
    %dma_start3A_18 = arith.constant 0 : i32
    %dma_start3A_19 = tpu.memref_slice %arg4[%add3A_13, %dma_start3A, %dma_start3A_18] : memref<32x114x88xi32, #tpu.memory_space<hbm>> -> memref<1x1x88xi32, #tpu.memory_space<hbm>>
    %dma_start3A_20 = tpu.memref_squeeze %dma_start3A_19 : memref<1x1x88xi32, #tpu.memory_space<hbm>> -> memref<88xi32, #tpu.memory_space<hbm>>
    %dma_start3A_21 = arith.constant 0 : i32
    %dma_start3A_22 = tpu.memref_slice %arg6[%dma_start3A_14, %dma_start3A_21] : memref<117x88xi32, #tpu.memory_space<vmem>> -> memref<1x88xi32, #tpu.memory_space<vmem>>
    %dma_start3A_23 = tpu.memref_squeeze %dma_start3A_22 : memref<1x88xi32, #tpu.memory_space<vmem>> -> memref<88xi32, #tpu.memory_space<vmem>>
    %dma_start3A_24 = arith.constant 0 : i32
    %dma_start3A_25 = tpu.memref_slice %arg4[%add3A_13, %dma_start3A, %dma_start3A_24] : memref<32x114x88xi32, #tpu.memory_space<hbm>> -> memref<1x1x88xi32, #tpu.memory_space<hbm>>
    %dma_start3A_26 = tpu.memref_squeeze %dma_start3A_25 : memref<1x1x88xi32, #tpu.memory_space<hbm>> -> memref<88xi32, #tpu.memory_space<hbm>>
    tpu.enqueue_dma source(%dma_start3A_26 : memref<88xi32, #tpu.memory_space<hbm>>) target(%dma_start3A_23 : memref<88xi32, #tpu.memory_space<vmem>>) target_semaphore(%arg14 : memref<!tpu.dma_semaphore, #tpu.memory_space<semaphore_mem>>)
    %dma_start3A_27 = arith.constant 0 : i32
    %dma_start3A_28 = arith.constant 0 : i32
    %dma_start3A_29 = tpu.memref_slice %arg6[%dma_start3A_27, %dma_start3A_28] : memref<117x88xi32, #tpu.memory_space<vmem>> -> memref<1x88xi32, #tpu.memory_space<vmem>>
    %dma_start3A_30 = tpu.memref_squeeze %dma_start3A_29 : memref<1x88xi32, #tpu.memory_space<vmem>> -> memref<88xi32, #tpu.memory_space<vmem>>
    %dma_start3A_31 = arith.constant 0 : i32
    %dma_start3A_32 = arith.constant 0 : i32
    %dma_start3A_33 = tpu.memref_slice %arg2[%dma_start3A_31, %dma_start3A_32] : memref<10000x128xf32, #tpu.memory_space<hbm>> -> memref<10000x128xf32, #tpu.memory_space<hbm>>
    tpu.enqueue_indirect_dma source(%dma_start3A_33 : memref<10000x128xf32, #tpu.memory_space<hbm>>) target(%arg7 : memref<88x128xf32, #tpu.memory_space<vmem>>) offsets(%dma_start3A_30 : memref<88xi32, #tpu.memory_space<vmem>>) semaphore(%arg11 : memref<!tpu.dma_semaphore, #tpu.memory_space<semaphore_mem>>)
    %dma_start3A_34 = arith.constant 1 : i32
    %dma_start3A_35 = arith.constant 115 : i32
    %dma_start3A_36 = arith.constant 0 : i32
    %dma_start3A_37 = tpu.memref_slice %arg6[%dma_start3A_35, %dma_start3A_36] : memref<117x88xi32, #tpu.memory_space<vmem>> -> memref<1x88xi32, #tpu.memory_space<vmem>>
    %dma_start3A_38 = tpu.memref_squeeze %dma_start3A_37 : memref<1x88xi32, #tpu.memory_space<vmem>> -> memref<88xi32, #tpu.memory_space<vmem>>
    %dma_start3A_39 = arith.constant 0 : i32
    %dma_start3A_40 = tpu.memref_slice %arg4[%add3A_13, %dma_start3A_34, %dma_start3A_39] : memref<32x114x88xi32, #tpu.memory_space<hbm>> -> memref<1x1x88xi32, #tpu.memory_space<hbm>>
    %dma_start3A_41 = tpu.memref_squeeze %dma_start3A_40 : memref<1x1x88xi32, #tpu.memory_space<hbm>> -> memref<88xi32, #tpu.memory_space<hbm>>
    %dma_start3A_42 = arith.constant 0 : i32
    %dma_start3A_43 = tpu.memref_slice %arg6[%dma_start3A_35, %dma_start3A_42] : memref<117x88xi32, #tpu.memory_space<vmem>> -> memref<1x88xi32, #tpu.memory_space<vmem>>
    %dma_start3A_44 = tpu.memref_squeeze %dma_start3A_43 : memref<1x88xi32, #tpu.memory_space<vmem>> -> memref<88xi32, #tpu.memory_space<vmem>>
    %dma_start3A_45 = arith.constant 0 : i32
    %dma_start3A_46 = tpu.memref_slice %arg4[%add3A_13, %dma_start3A_34, %dma_start3A_45] : memref<32x114x88xi32, #tpu.memory_space<hbm>> -> memref<1x1x88xi32, #tpu.memory_space<hbm>>
    %dma_start3A_47 = tpu.memref_squeeze %dma_start3A_46 : memref<1x1x88xi32, #tpu.memory_space<hbm>> -> memref<88xi32, #tpu.memory_space<hbm>>
    tpu.enqueue_dma source(%dma_start3A_47 : memref<88xi32, #tpu.memory_space<hbm>>) target(%dma_start3A_44 : memref<88xi32, #tpu.memory_space<vmem>>) target_semaphore(%arg15 : memref<!tpu.dma_semaphore, #tpu.memory_space<semaphore_mem>>)
    %dma_start3A_48 = arith.constant 1 : i32
    %dma_start3A_49 = arith.constant 0 : i32
    %dma_start3A_50 = tpu.memref_slice %arg6[%dma_start3A_48, %dma_start3A_49] : memref<117x88xi32, #tpu.memory_space<vmem>> -> memref<1x88xi32, #tpu.memory_space<vmem>>
    %dma_start3A_51 = tpu.memref_squeeze %dma_start3A_50 : memref<1x88xi32, #tpu.memory_space<vmem>> -> memref<88xi32, #tpu.memory_space<vmem>>
    %dma_start3A_52 = arith.constant 0 : i32
    %dma_start3A_53 = arith.constant 0 : i32
    %dma_start3A_54 = tpu.memref_slice %arg2[%dma_start3A_52, %dma_start3A_53] : memref<10000x128xf32, #tpu.memory_space<hbm>> -> memref<10000x128xf32, #tpu.memory_space<hbm>>
    tpu.enqueue_indirect_dma source(%dma_start3A_54 : memref<10000x128xf32, #tpu.memory_space<hbm>>) target(%arg8 : memref<88x128xf32, #tpu.memory_space<vmem>>) offsets(%dma_start3A_51 : memref<88xi32, #tpu.memory_space<vmem>>) semaphore(%arg12 : memref<!tpu.dma_semaphore, #tpu.memory_space<semaphore_mem>>)
    %dma_start3A_55 = arith.constant 2 : i32
    %dma_start3A_56 = arith.constant 116 : i32
    %dma_start3A_57 = arith.constant 0 : i32
    %dma_start3A_58 = tpu.memref_slice %arg6[%dma_start3A_56, %dma_start3A_57] : memref<117x88xi32, #tpu.memory_space<vmem>> -> memref<1x88xi32, #tpu.memory_space<vmem>>
    %dma_start3A_59 = tpu.memref_squeeze %dma_start3A_58 : memref<1x88xi32, #tpu.memory_space<vmem>> -> memref<88xi32, #tpu.memory_space<vmem>>
    %dma_start3A_60 = arith.constant 0 : i32
    %dma_start3A_61 = tpu.memref_slice %arg4[%add3A_13, %dma_start3A_55, %dma_start3A_60] : memref<32x114x88xi32, #tpu.memory_space<hbm>> -> memref<1x1x88xi32, #tpu.memory_space<hbm>>
    %dma_start3A_62 = tpu.memref_squeeze %dma_start3A_61 : memref<1x1x88xi32, #tpu.memory_space<hbm>> -> memref<88xi32, #tpu.memory_space<hbm>>
    %dma_start3A_63 = arith.constant 0 : i32
    %dma_start3A_64 = tpu.memref_slice %arg6[%dma_start3A_56, %dma_start3A_63] : memref<117x88xi32, #tpu.memory_space<vmem>> -> memref<1x88xi32, #tpu.memory_space<vmem>>
    %dma_start3A_65 = tpu.memref_squeeze %dma_start3A_64 : memref<1x88xi32, #tpu.memory_space<vmem>> -> memref<88xi32, #tpu.memory_space<vmem>>
    %dma_start3A_66 = arith.constant 0 : i32
    %dma_start3A_67 = tpu.memref_slice %arg4[%add3A_13, %dma_start3A_55, %dma_start3A_66] : memref<32x114x88xi32, #tpu.memory_space<hbm>> -> memref<1x1x88xi32, #tpu.memory_space<hbm>>
    %dma_start3A_68 = tpu.memref_squeeze %dma_start3A_67 : memref<1x1x88xi32, #tpu.memory_space<hbm>> -> memref<88xi32, #tpu.memory_space<hbm>>
    tpu.enqueue_dma source(%dma_start3A_68 : memref<88xi32, #tpu.memory_space<hbm>>) target(%dma_start3A_65 : memref<88xi32, #tpu.memory_space<vmem>>) target_semaphore(%arg16 : memref<!tpu.dma_semaphore, #tpu.memory_space<semaphore_mem>>)
    %dma_start3A_69 = arith.constant 2 : i32
    %dma_start3A_70 = arith.constant 0 : i32
    %dma_start3A_71 = tpu.memref_slice %arg6[%dma_start3A_69, %dma_start3A_70] : memref<117x88xi32, #tpu.memory_space<vmem>> -> memref<1x88xi32, #tpu.memory_space<vmem>>
    %dma_start3A_72 = tpu.memref_squeeze %dma_start3A_71 : memref<1x88xi32, #tpu.memory_space<vmem>> -> memref<88xi32, #tpu.memory_space<vmem>>
    %dma_start3A_73 = arith.constant 0 : i32
    %dma_start3A_74 = arith.constant 0 : i32
    %dma_start3A_75 = tpu.memref_slice %arg2[%dma_start3A_73, %dma_start3A_74] : memref<10000x128xf32, #tpu.memory_space<hbm>> -> memref<10000x128xf32, #tpu.memory_space<hbm>>
    tpu.enqueue_indirect_dma source(%dma_start3A_75 : memref<10000x128xf32, #tpu.memory_space<hbm>>) target(%arg9 : memref<88x128xf32, #tpu.memory_space<vmem>>) offsets(%dma_start3A_72 : memref<88xi32, #tpu.memory_space<vmem>>) semaphore(%arg13 : memref<!tpu.dma_semaphore, #tpu.memory_space<semaphore_mem>>)
    %scan3A_76 = arith.constant 0 : i32
    %scan3A_77 = arith.constant 38 : i32
    %scan3A_78 = arith.addi %scan3A_76, %scan3A_77 : i32
    %scan3A_79 = arith.constant 1 : i32
    scf.for %scan3A_82 = %scan3A_76 to %scan3A_78 step %scan3A_79  : i32 {
      %mul3A_83 = arith.constant 3 : i32
      %mul3A_84 = arith.muli %scan3A_82, %mul3A_83 : i32
      %add3A_85 = arith.constant 0 : i32
      %add3A_86 = arith.addi %add3A_85, %mul3A_84 : i32
      %add3A_87 = arith.constant 0 : i32
      %add3A_88 = arith.addi %add3A_86, %add3A_87 : i32
      %dma_wait3A = arith.constant 114 : i32
      %dma_wait3A_89 = arith.constant 0 : i32
      %dma_wait3A_90 = tpu.memref_slice %arg6[%dma_wait3A, %dma_wait3A_89] : memref<117x88xi32, #tpu.memory_space<vmem>> -> memref<1x88xi32, #tpu.memory_space<vmem>>
      %dma_wait3A_91 = tpu.memref_squeeze %dma_wait3A_90 : memref<1x88xi32, #tpu.memory_space<vmem>> -> memref<88xi32, #tpu.memory_space<vmem>>
      %dma_wait3A_92 = arith.constant 0 : i32
      %dma_wait3A_93 = tpu.memref_slice %arg4[%add3A_13, %add3A_88, %dma_wait3A_92] : memref<32x114x88xi32, #tpu.memory_space<hbm>> -> memref<1x1x88xi32, #tpu.memory_space<hbm>>
      %dma_wait3A_94 = tpu.memref_squeeze %dma_wait3A_93 : memref<1x1x88xi32, #tpu.memory_space<hbm>> -> memref<88xi32, #tpu.memory_space<hbm>>
      %dma_wait3A_95 = arith.constant 0 : i32
      %dma_wait3A_96 = tpu.memref_slice %arg6[%dma_wait3A, %dma_wait3A_95] : memref<117x88xi32, #tpu.memory_space<vmem>> -> memref<1x88xi32, #tpu.memory_space<vmem>>
      %dma_wait3A_97 = tpu.memref_squeeze %dma_wait3A_96 : memref<1x88xi32, #tpu.memory_space<vmem>> -> memref<88xi32, #tpu.memory_space<vmem>>
      %dma_wait3A_98 = arith.constant 0 : i32
      %dma_wait3A_99 = tpu.memref_slice %arg4[%add3A_13, %add3A_88, %dma_wait3A_98] : memref<32x114x88xi32, #tpu.memory_space<hbm>> -> memref<1x1x88xi32, #tpu.memory_space<hbm>>
      %dma_wait3A_100 = tpu.memref_squeeze %dma_wait3A_99 : memref<1x1x88xi32, #tpu.memory_space<hbm>> -> memref<88xi32, #tpu.memory_space<hbm>>
      tpu.wait_dma2 semaphore(%arg14 : memref<!tpu.dma_semaphore, #tpu.memory_space<semaphore_mem>>) src(%dma_wait3A_100 : memref<88xi32, #tpu.memory_space<hbm>>) dst(%dma_wait3A_97 : memref<88xi32, #tpu.memory_space<vmem>>)
      %add3A_101 = arith.constant 0 : i32
      %add3A_102 = arith.addi %add3A_86, %add3A_101 : i32
      %dma_wait3A_103 = arith.constant 0 : i32
      %dma_wait3A_104 = tpu.memref_slice %arg6[%add3A_102, %dma_wait3A_103] : memref<117x88xi32, #tpu.memory_space<vmem>> -> memref<1x88xi32, #tpu.memory_space<vmem>>
      %dma_wait3A_105 = tpu.memref_squeeze %dma_wait3A_104 : memref<1x88xi32, #tpu.memory_space<vmem>> -> memref<88xi32, #tpu.memory_space<vmem>>
      %dma_wait3A_106 = arith.constant 0 : i32
      %dma_wait3A_107 = arith.constant 0 : i32
      %dma_wait3A_108 = tpu.memref_slice %arg2[%dma_wait3A_106, %dma_wait3A_107] : memref<10000x128xf32, #tpu.memory_space<hbm>> -> memref<10000x128xf32, #tpu.memory_space<hbm>>
      tpu.wait_indirect_dma semaphore(%arg11 : memref<!tpu.dma_semaphore, #tpu.memory_space<semaphore_mem>>) src(%dma_wait3A_108 : memref<10000x128xf32, #tpu.memory_space<hbm>>) dst(%arg7 : memref<88x128xf32, #tpu.memory_space<vmem>>)
      %run_scoped3A = arith.constant 114 : i32
      "tpu.region"() ({
        %run_scoped3A_181 = tpu.sem_alloc : memref<!tpu.dma_semaphore, #tpu.memory_space<semaphore_mem>>
        %dma_start3A_182 = arith.constant 0 : i32
        %dma_start3A_183 = tpu.memref_slice %arg6[%run_scoped3A, %dma_start3A_182] : memref<117x88xi32, #tpu.memory_space<vmem>> -> memref<1x88xi32, #tpu.memory_space<vmem>>
        %dma_start3A_184 = tpu.memref_squeeze %dma_start3A_183 : memref<1x88xi32, #tpu.memory_space<vmem>> -> memref<88xi32, #tpu.memory_space<vmem>>
        %dma_start3A_185 = arith.constant 0 : i32
        %dma_start3A_186 = arith.constant 0 : i32
        %dma_start3A_187 = tpu.memref_slice %arg10[%dma_start3A_185, %dma_start3A_186] : memref<10112x128xf32, #tpu.memory_space<vmem_shared>> -> memref<10112x128xf32, #tpu.memory_space<vmem_shared>>
        tpu.enqueue_indirect_dma source(%arg7 : memref<88x128xf32, #tpu.memory_space<vmem>>) target(%dma_start3A_187 : memref<10112x128xf32, #tpu.memory_space<vmem_shared>>) offsets(%dma_start3A_184 : memref<88xi32, #tpu.memory_space<vmem>>) semaphore(%run_scoped3A_181 : memref<!tpu.dma_semaphore, #tpu.memory_space<semaphore_mem>>) {add = true}
        %dma_wait3A_188 = arith.constant 0 : i32
        %dma_wait3A_189 = tpu.memref_slice %arg6[%run_scoped3A, %dma_wait3A_188] : memref<117x88xi32, #tpu.memory_space<vmem>> -> memref<1x88xi32, #tpu.memory_space<vmem>>
        %dma_wait3A_190 = tpu.memref_squeeze %dma_wait3A_189 : memref<1x88xi32, #tpu.memory_space<vmem>> -> memref<88xi32, #tpu.memory_space<vmem>>
        %dma_wait3A_191 = arith.constant 0 : i32
        %dma_wait3A_192 = arith.constant 0 : i32
        %dma_wait3A_193 = tpu.memref_slice %arg10[%dma_wait3A_191, %dma_wait3A_192] : memref<10112x128xf32, #tpu.memory_space<vmem_shared>> -> memref<10112x128xf32, #tpu.memory_space<vmem_shared>>
        tpu.wait_indirect_dma semaphore(%run_scoped3A_181 : memref<!tpu.dma_semaphore, #tpu.memory_space<semaphore_mem>>) src(%arg7 : memref<88x128xf32, #tpu.memory_space<vmem>>) dst(%dma_wait3A_193 : memref<10112x128xf32, #tpu.memory_space<vmem_shared>>)
        tpu.yield
      }) : () -> ()
      %add3A_109 = arith.constant 0 : i32
      %add3A_110 = arith.addi %add3A_86, %add3A_109 : i32
      %add3A_111 = arith.constant 3 : i32
      %add3A_112 = arith.addi %add3A_110, %add3A_111 : i32
      %lt3A = arith.constant 114 : i32
      %lt3A_113 = arith.cmpi slt, %add3A_112, %lt3A : i32
      %convert_element_type3A = arith.extui %lt3A_113 : i1 to i32
      %cond3A = arith.constant 0 : i32
      %cond3A_114 = arith.cmpi ne, %convert_element_type3A, %cond3A : i32
      scf.if %cond3A_114 {
        %add3A_181 = arith.constant 0 : i32
        %add3A_182 = arith.addi %add3A_86, %add3A_181 : i32
        %add3A_183 = arith.constant 3 : i32
        %add3A_184 = arith.addi %add3A_182, %add3A_183 : i32
        %dma_start3A_185 = arith.constant 114 : i32
        %dma_start3A_186 = arith.constant 0 : i32
        %dma_start3A_187 = tpu.memref_slice %arg6[%dma_start3A_185, %dma_start3A_186] : memref<117x88xi32, #tpu.memory_space<vmem>> -> memref<1x88xi32, #tpu.memory_space<vmem>>
        %dma_start3A_188 = tpu.memref_squeeze %dma_start3A_187 : memref<1x88xi32, #tpu.memory_space<vmem>> -> memref<88xi32, #tpu.memory_space<vmem>>
        %dma_start3A_189 = arith.constant 0 : i32
        %dma_start3A_190 = tpu.memref_slice %arg4[%add3A_13, %add3A_184, %dma_start3A_189] : memref<32x114x88xi32, #tpu.memory_space<hbm>> -> memref<1x1x88xi32, #tpu.memory_space<hbm>>
        %dma_start3A_191 = tpu.memref_squeeze %dma_start3A_190 : memref<1x1x88xi32, #tpu.memory_space<hbm>> -> memref<88xi32, #tpu.memory_space<hbm>>
        %dma_start3A_192 = arith.constant 0 : i32
        %dma_start3A_193 = tpu.memref_slice %arg6[%dma_start3A_185, %dma_start3A_192] : memref<117x88xi32, #tpu.memory_space<vmem>> -> memref<1x88xi32, #tpu.memory_space<vmem>>
        %dma_start3A_194 = tpu.memref_squeeze %dma_start3A_193 : memref<1x88xi32, #tpu.memory_space<vmem>> -> memref<88xi32, #tpu.memory_space<vmem>>
        %dma_start3A_195 = arith.constant 0 : i32
        %dma_start3A_196 = tpu.memref_slice %arg4[%add3A_13, %add3A_184, %dma_start3A_195] : memref<32x114x88xi32, #tpu.memory_space<hbm>> -> memref<1x1x88xi32, #tpu.memory_space<hbm>>
        %dma_start3A_197 = tpu.memref_squeeze %dma_start3A_196 : memref<1x1x88xi32, #tpu.memory_space<hbm>> -> memref<88xi32, #tpu.memory_space<hbm>>
        tpu.enqueue_dma source(%dma_start3A_197 : memref<88xi32, #tpu.memory_space<hbm>>) target(%dma_start3A_194 : memref<88xi32, #tpu.memory_space<vmem>>) target_semaphore(%arg14 : memref<!tpu.dma_semaphore, #tpu.memory_space<semaphore_mem>>)
        %add3A_198 = arith.constant 0 : i32
        %add3A_199 = arith.addi %add3A_86, %add3A_198 : i32
        %add3A_200 = arith.constant 3 : i32
        %add3A_201 = arith.addi %add3A_199, %add3A_200 : i32
        %dma_start3A_202 = arith.constant 0 : i32
        %dma_start3A_203 = tpu.memref_slice %arg6[%add3A_201, %dma_start3A_202] : memref<117x88xi32, #tpu.memory_space<vmem>> -> memref<1x88xi32, #tpu.memory_space<vmem>>
        %dma_start3A_204 = tpu.memref_squeeze %dma_start3A_203 : memref<1x88xi32, #tpu.memory_space<vmem>> -> memref<88xi32, #tpu.memory_space<vmem>>
        %dma_start3A_205 = arith.constant 0 : i32
        %dma_start3A_206 = arith.constant 0 : i32
        %dma_start3A_207 = tpu.memref_slice %arg2[%dma_start3A_205, %dma_start3A_206] : memref<10000x128xf32, #tpu.memory_space<hbm>> -> memref<10000x128xf32, #tpu.memory_space<hbm>>
        tpu.enqueue_indirect_dma source(%dma_start3A_207 : memref<10000x128xf32, #tpu.memory_space<hbm>>) target(%arg7 : memref<88x128xf32, #tpu.memory_space<vmem>>) offsets(%dma_start3A_204 : memref<88xi32, #tpu.memory_space<vmem>>) semaphore(%arg11 : memref<!tpu.dma_semaphore, #tpu.memory_space<semaphore_mem>>)
      } else {
      }
      %add3A_115 = arith.constant 1 : i32
      %add3A_116 = arith.addi %add3A_86, %add3A_115 : i32
      %dma_wait3A_117 = arith.constant 115 : i32
      %dma_wait3A_118 = arith.constant 0 : i32
      %dma_wait3A_119 = tpu.memref_slice %arg6[%dma_wait3A_117, %dma_wait3A_118] : memref<117x88xi32, #tpu.memory_space<vmem>> -> memref<1x88xi32, #tpu.memory_space<vmem>>
      %dma_wait3A_120 = tpu.memref_squeeze %dma_wait3A_119 : memref<1x88xi32, #tpu.memory_space<vmem>> -> memref<88xi32, #tpu.memory_space<vmem>>
      %dma_wait3A_121 = arith.constant 0 : i32
      %dma_wait3A_122 = tpu.memref_slice %arg4[%add3A_13, %add3A_116, %dma_wait3A_121] : memref<32x114x88xi32, #tpu.memory_space<hbm>> -> memref<1x1x88xi32, #tpu.memory_space<hbm>>
      %dma_wait3A_123 = tpu.memref_squeeze %dma_wait3A_122 : memref<1x1x88xi32, #tpu.memory_space<hbm>> -> memref<88xi32, #tpu.memory_space<hbm>>
      %dma_wait3A_124 = arith.constant 0 : i32
      %dma_wait3A_125 = tpu.memref_slice %arg6[%dma_wait3A_117, %dma_wait3A_124] : memref<117x88xi32, #tpu.memory_space<vmem>> -> memref<1x88xi32, #tpu.memory_space<vmem>>
      %dma_wait3A_126 = tpu.memref_squeeze %dma_wait3A_125 : memref<1x88xi32, #tpu.memory_space<vmem>> -> memref<88xi32, #tpu.memory_space<vmem>>
      %dma_wait3A_127 = arith.constant 0 : i32
      %dma_wait3A_128 = tpu.memref_slice %arg4[%add3A_13, %add3A_116, %dma_wait3A_127] : memref<32x114x88xi32, #tpu.memory_space<hbm>> -> memref<1x1x88xi32, #tpu.memory_space<hbm>>
      %dma_wait3A_129 = tpu.memref_squeeze %dma_wait3A_128 : memref<1x1x88xi32, #tpu.memory_space<hbm>> -> memref<88xi32, #tpu.memory_space<hbm>>
      tpu.wait_dma2 semaphore(%arg15 : memref<!tpu.dma_semaphore, #tpu.memory_space<semaphore_mem>>) src(%dma_wait3A_129 : memref<88xi32, #tpu.memory_space<hbm>>) dst(%dma_wait3A_126 : memref<88xi32, #tpu.memory_space<vmem>>)
      %add3A_130 = arith.constant 1 : i32
      %add3A_131 = arith.addi %add3A_86, %add3A_130 : i32
      %dma_wait3A_132 = arith.constant 0 : i32
      %dma_wait3A_133 = tpu.memref_slice %arg6[%add3A_131, %dma_wait3A_132] : memref<117x88xi32, #tpu.memory_space<vmem>> -> memref<1x88xi32, #tpu.memory_space<vmem>>
      %dma_wait3A_134 = tpu.memref_squeeze %dma_wait3A_133 : memref<1x88xi32, #tpu.memory_space<vmem>> -> memref<88xi32, #tpu.memory_space<vmem>>
      %dma_wait3A_135 = arith.constant 0 : i32
      %dma_wait3A_136 = arith.constant 0 : i32
      %dma_wait3A_137 = tpu.memref_slice %arg2[%dma_wait3A_135, %dma_wait3A_136] : memref<10000x128xf32, #tpu.memory_space<hbm>> -> memref<10000x128xf32, #tpu.memory_space<hbm>>
      tpu.wait_indirect_dma semaphore(%arg12 : memref<!tpu.dma_semaphore, #tpu.memory_space<semaphore_mem>>) src(%dma_wait3A_137 : memref<10000x128xf32, #tpu.memory_space<hbm>>) dst(%arg8 : memref<88x128xf32, #tpu.memory_space<vmem>>)
      %run_scoped3A_138 = arith.constant 115 : i32
      "tpu.region"() ({
        %run_scoped3A_181 = tpu.sem_alloc : memref<!tpu.dma_semaphore, #tpu.memory_space<semaphore_mem>>
        %dma_start3A_182 = arith.constant 0 : i32
        %dma_start3A_183 = tpu.memref_slice %arg6[%run_scoped3A_138, %dma_start3A_182] : memref<117x88xi32, #tpu.memory_space<vmem>> -> memref<1x88xi32, #tpu.memory_space<vmem>>
        %dma_start3A_184 = tpu.memref_squeeze %dma_start3A_183 : memref<1x88xi32, #tpu.memory_space<vmem>> -> memref<88xi32, #tpu.memory_space<vmem>>
        %dma_start3A_185 = arith.constant 0 : i32
        %dma_start3A_186 = arith.constant 0 : i32
        %dma_start3A_187 = tpu.memref_slice %arg10[%dma_start3A_185, %dma_start3A_186] : memref<10112x128xf32, #tpu.memory_space<vmem_shared>> -> memref<10112x128xf32, #tpu.memory_space<vmem_shared>>
        tpu.enqueue_indirect_dma source(%arg8 : memref<88x128xf32, #tpu.memory_space<vmem>>) target(%dma_start3A_187 : memref<10112x128xf32, #tpu.memory_space<vmem_shared>>) offsets(%dma_start3A_184 : memref<88xi32, #tpu.memory_space<vmem>>) semaphore(%run_scoped3A_181 : memref<!tpu.dma_semaphore, #tpu.memory_space<semaphore_mem>>) {add = true}
        %dma_wait3A_188 = arith.constant 0 : i32
        %dma_wait3A_189 = tpu.memref_slice %arg6[%run_scoped3A_138, %dma_wait3A_188] : memref<117x88xi32, #tpu.memory_space<vmem>> -> memref<1x88xi32, #tpu.memory_space<vmem>>
        %dma_wait3A_190 = tpu.memref_squeeze %dma_wait3A_189 : memref<1x88xi32, #tpu.memory_space<vmem>> -> memref<88xi32, #tpu.memory_space<vmem>>
        %dma_wait3A_191 = arith.constant 0 : i32
        %dma_wait3A_192 = arith.constant 0 : i32
        %dma_wait3A_193 = tpu.memref_slice %arg10[%dma_wait3A_191, %dma_wait3A_192] : memref<10112x128xf32, #tpu.memory_space<vmem_shared>> -> memref<10112x128xf32, #tpu.memory_space<vmem_shared>>
        tpu.wait_indirect_dma semaphore(%run_scoped3A_181 : memref<!tpu.dma_semaphore, #tpu.memory_space<semaphore_mem>>) src(%arg8 : memref<88x128xf32, #tpu.memory_space<vmem>>) dst(%dma_wait3A_193 : memref<10112x128xf32, #tpu.memory_space<vmem_shared>>)
        tpu.yield
      }) : () -> ()
      %add3A_139 = arith.constant 1 : i32
      %add3A_140 = arith.addi %add3A_86, %add3A_139 : i32
      %add3A_141 = arith.constant 3 : i32
      %add3A_142 = arith.addi %add3A_140, %add3A_141 : i32
      %lt3A_143 = arith.constant 114 : i32
      %lt3A_144 = arith.cmpi slt, %add3A_142, %lt3A_143 : i32
      %convert_element_type3A_145 = arith.extui %lt3A_144 : i1 to i32
      %cond3A_146 = arith.constant 0 : i32
      %cond3A_147 = arith.cmpi ne, %convert_element_type3A_145, %cond3A_146 : i32
      scf.if %cond3A_147 {
        %add3A_181 = arith.constant 1 : i32
        %add3A_182 = arith.addi %add3A_86, %add3A_181 : i32
        %add3A_183 = arith.constant 3 : i32
        %add3A_184 = arith.addi %add3A_182, %add3A_183 : i32
        %dma_start3A_185 = arith.constant 115 : i32
        %dma_start3A_186 = arith.constant 0 : i32
        %dma_start3A_187 = tpu.memref_slice %arg6[%dma_start3A_185, %dma_start3A_186] : memref<117x88xi32, #tpu.memory_space<vmem>> -> memref<1x88xi32, #tpu.memory_space<vmem>>
        %dma_start3A_188 = tpu.memref_squeeze %dma_start3A_187 : memref<1x88xi32, #tpu.memory_space<vmem>> -> memref<88xi32, #tpu.memory_space<vmem>>
        %dma_start3A_189 = arith.constant 0 : i32
        %dma_start3A_190 = tpu.memref_slice %arg4[%add3A_13, %add3A_184, %dma_start3A_189] : memref<32x114x88xi32, #tpu.memory_space<hbm>> -> memref<1x1x88xi32, #tpu.memory_space<hbm>>
        %dma_start3A_191 = tpu.memref_squeeze %dma_start3A_190 : memref<1x1x88xi32, #tpu.memory_space<hbm>> -> memref<88xi32, #tpu.memory_space<hbm>>
        %dma_start3A_192 = arith.constant 0 : i32
        %dma_start3A_193 = tpu.memref_slice %arg6[%dma_start3A_185, %dma_start3A_192] : memref<117x88xi32, #tpu.memory_space<vmem>> -> memref<1x88xi32, #tpu.memory_space<vmem>>
        %dma_start3A_194 = tpu.memref_squeeze %dma_start3A_193 : memref<1x88xi32, #tpu.memory_space<vmem>> -> memref<88xi32, #tpu.memory_space<vmem>>
        %dma_start3A_195 = arith.constant 0 : i32
        %dma_start3A_196 = tpu.memref_slice %arg4[%add3A_13, %add3A_184, %dma_start3A_195] : memref<32x114x88xi32, #tpu.memory_space<hbm>> -> memref<1x1x88xi32, #tpu.memory_space<hbm>>
        %dma_start3A_197 = tpu.memref_squeeze %dma_start3A_196 : memref<1x1x88xi32, #tpu.memory_space<hbm>> -> memref<88xi32, #tpu.memory_space<hbm>>
        tpu.enqueue_dma source(%dma_start3A_197 : memref<88xi32, #tpu.memory_space<hbm>>) target(%dma_start3A_194 : memref<88xi32, #tpu.memory_space<vmem>>) target_semaphore(%arg15 : memref<!tpu.dma_semaphore, #tpu.memory_space<semaphore_mem>>)
        %add3A_198 = arith.constant 1 : i32
        %add3A_199 = arith.addi %add3A_86, %add3A_198 : i32
        %add3A_200 = arith.constant 3 : i32
        %add3A_201 = arith.addi %add3A_199, %add3A_200 : i32
        %dma_start3A_202 = arith.constant 0 : i32
        %dma_start3A_203 = tpu.memref_slice %arg6[%add3A_201, %dma_start3A_202] : memref<117x88xi32, #tpu.memory_space<vmem>> -> memref<1x88xi32, #tpu.memory_space<vmem>>
        %dma_start3A_204 = tpu.memref_squeeze %dma_start3A_203 : memref<1x88xi32, #tpu.memory_space<vmem>> -> memref<88xi32, #tpu.memory_space<vmem>>
        %dma_start3A_205 = arith.constant 0 : i32
        %dma_start3A_206 = arith.constant 0 : i32
        %dma_start3A_207 = tpu.memref_slice %arg2[%dma_start3A_205, %dma_start3A_206] : memref<10000x128xf32, #tpu.memory_space<hbm>> -> memref<10000x128xf32, #tpu.memory_space<hbm>>
        tpu.enqueue_indirect_dma source(%dma_start3A_207 : memref<10000x128xf32, #tpu.memory_space<hbm>>) target(%arg8 : memref<88x128xf32, #tpu.memory_space<vmem>>) offsets(%dma_start3A_204 : memref<88xi32, #tpu.memory_space<vmem>>) semaphore(%arg12 : memref<!tpu.dma_semaphore, #tpu.memory_space<semaphore_mem>>)
      } else {
      }
      %add3A_148 = arith.constant 2 : i32
      %add3A_149 = arith.addi %add3A_86, %add3A_148 : i32
      %dma_wait3A_150 = arith.constant 116 : i32
      %dma_wait3A_151 = arith.constant 0 : i32
      %dma_wait3A_152 = tpu.memref_slice %arg6[%dma_wait3A_150, %dma_wait3A_151] : memref<117x88xi32, #tpu.memory_space<vmem>> -> memref<1x88xi32, #tpu.memory_space<vmem>>
      %dma_wait3A_153 = tpu.memref_squeeze %dma_wait3A_152 : memref<1x88xi32, #tpu.memory_space<vmem>> -> memref<88xi32, #tpu.memory_space<vmem>>
      %dma_wait3A_154 = arith.constant 0 : i32
      %dma_wait3A_155 = tpu.memref_slice %arg4[%add3A_13, %add3A_149, %dma_wait3A_154] : memref<32x114x88xi32, #tpu.memory_space<hbm>> -> memref<1x1x88xi32, #tpu.memory_space<hbm>>
      %dma_wait3A_156 = tpu.memref_squeeze %dma_wait3A_155 : memref<1x1x88xi32, #tpu.memory_space<hbm>> -> memref<88xi32, #tpu.memory_space<hbm>>
      %dma_wait3A_157 = arith.constant 0 : i32
      %dma_wait3A_158 = tpu.memref_slice %arg6[%dma_wait3A_150, %dma_wait3A_157] : memref<117x88xi32, #tpu.memory_space<vmem>> -> memref<1x88xi32, #tpu.memory_space<vmem>>
      %dma_wait3A_159 = tpu.memref_squeeze %dma_wait3A_158 : memref<1x88xi32, #tpu.memory_space<vmem>> -> memref<88xi32, #tpu.memory_space<vmem>>
      %dma_wait3A_160 = arith.constant 0 : i32
      %dma_wait3A_161 = tpu.memref_slice %arg4[%add3A_13, %add3A_149, %dma_wait3A_160] : memref<32x114x88xi32, #tpu.memory_space<hbm>> -> memref<1x1x88xi32, #tpu.memory_space<hbm>>
      %dma_wait3A_162 = tpu.memref_squeeze %dma_wait3A_161 : memref<1x1x88xi32, #tpu.memory_space<hbm>> -> memref<88xi32, #tpu.memory_space<hbm>>
      tpu.wait_dma2 semaphore(%arg16 : memref<!tpu.dma_semaphore, #tpu.memory_space<semaphore_mem>>) src(%dma_wait3A_162 : memref<88xi32, #tpu.memory_space<hbm>>) dst(%dma_wait3A_159 : memref<88xi32, #tpu.memory_space<vmem>>)
      %add3A_163 = arith.constant 2 : i32
      %add3A_164 = arith.addi %add3A_86, %add3A_163 : i32
      %dma_wait3A_165 = arith.constant 0 : i32
      %dma_wait3A_166 = tpu.memref_slice %arg6[%add3A_164, %dma_wait3A_165] : memref<117x88xi32, #tpu.memory_space<vmem>> -> memref<1x88xi32, #tpu.memory_space<vmem>>
      %dma_wait3A_167 = tpu.memref_squeeze %dma_wait3A_166 : memref<1x88xi32, #tpu.memory_space<vmem>> -> memref<88xi32, #tpu.memory_space<vmem>>
      %dma_wait3A_168 = arith.constant 0 : i32
      %dma_wait3A_169 = arith.constant 0 : i32
      %dma_wait3A_170 = tpu.memref_slice %arg2[%dma_wait3A_168, %dma_wait3A_169] : memref<10000x128xf32, #tpu.memory_space<hbm>> -> memref<10000x128xf32, #tpu.memory_space<hbm>>
      tpu.wait_indirect_dma semaphore(%arg13 : memref<!tpu.dma_semaphore, #tpu.memory_space<semaphore_mem>>) src(%dma_wait3A_170 : memref<10000x128xf32, #tpu.memory_space<hbm>>) dst(%arg9 : memref<88x128xf32, #tpu.memory_space<vmem>>)
      %run_scoped3A_171 = arith.constant 116 : i32
      "tpu.region"() ({
        %run_scoped3A_181 = tpu.sem_alloc : memref<!tpu.dma_semaphore, #tpu.memory_space<semaphore_mem>>
        %dma_start3A_182 = arith.constant 0 : i32
        %dma_start3A_183 = tpu.memref_slice %arg6[%run_scoped3A_171, %dma_start3A_182] : memref<117x88xi32, #tpu.memory_space<vmem>> -> memref<1x88xi32, #tpu.memory_space<vmem>>
        %dma_start3A_184 = tpu.memref_squeeze %dma_start3A_183 : memref<1x88xi32, #tpu.memory_space<vmem>> -> memref<88xi32, #tpu.memory_space<vmem>>
        %dma_start3A_185 = arith.constant 0 : i32
        %dma_start3A_186 = arith.constant 0 : i32
        %dma_start3A_187 = tpu.memref_slice %arg10[%dma_start3A_185, %dma_start3A_186] : memref<10112x128xf32, #tpu.memory_space<vmem_shared>> -> memref<10112x128xf32, #tpu.memory_space<vmem_shared>>
        tpu.enqueue_indirect_dma source(%arg9 : memref<88x128xf32, #tpu.memory_space<vmem>>) target(%dma_start3A_187 : memref<10112x128xf32, #tpu.memory_space<vmem_shared>>) offsets(%dma_start3A_184 : memref<88xi32, #tpu.memory_space<vmem>>) semaphore(%run_scoped3A_181 : memref<!tpu.dma_semaphore, #tpu.memory_space<semaphore_mem>>) {add = true}
        %dma_wait3A_188 = arith.constant 0 : i32
        %dma_wait3A_189 = tpu.memref_slice %arg6[%run_scoped3A_171, %dma_wait3A_188] : memref<117x88xi32, #tpu.memory_space<vmem>> -> memref<1x88xi32, #tpu.memory_space<vmem>>
        %dma_wait3A_190 = tpu.memref_squeeze %dma_wait3A_189 : memref<1x88xi32, #tpu.memory_space<vmem>> -> memref<88xi32, #tpu.memory_space<vmem>>
        %dma_wait3A_191 = arith.constant 0 : i32
        %dma_wait3A_192 = arith.constant 0 : i32
        %dma_wait3A_193 = tpu.memref_slice %arg10[%dma_wait3A_191, %dma_wait3A_192] : memref<10112x128xf32, #tpu.memory_space<vmem_shared>> -> memref<10112x128xf32, #tpu.memory_space<vmem_shared>>
        tpu.wait_indirect_dma semaphore(%run_scoped3A_181 : memref<!tpu.dma_semaphore, #tpu.memory_space<semaphore_mem>>) src(%arg9 : memref<88x128xf32, #tpu.memory_space<vmem>>) dst(%dma_wait3A_193 : memref<10112x128xf32, #tpu.memory_space<vmem_shared>>)
        tpu.yield
      }) : () -> ()
      %add3A_172 = arith.constant 2 : i32
      %add3A_173 = arith.addi %add3A_86, %add3A_172 : i32
      %add3A_174 = arith.constant 3 : i32
      %add3A_175 = arith.addi %add3A_173, %add3A_174 : i32
      %lt3A_176 = arith.constant 114 : i32
      %lt3A_177 = arith.cmpi slt, %add3A_175, %lt3A_176 : i32
      %convert_element_type3A_178 = arith.extui %lt3A_177 : i1 to i32
      %cond3A_179 = arith.constant 0 : i32
      %cond3A_180 = arith.cmpi ne, %convert_element_type3A_178, %cond3A_179 : i32
      scf.if %cond3A_180 {
        %add3A_181 = arith.constant 2 : i32
        %add3A_182 = arith.addi %add3A_86, %add3A_181 : i32
        %add3A_183 = arith.constant 3 : i32
        %add3A_184 = arith.addi %add3A_182, %add3A_183 : i32
        %dma_start3A_185 = arith.constant 116 : i32
        %dma_start3A_186 = arith.constant 0 : i32
        %dma_start3A_187 = tpu.memref_slice %arg6[%dma_start3A_185, %dma_start3A_186] : memref<117x88xi32, #tpu.memory_space<vmem>> -> memref<1x88xi32, #tpu.memory_space<vmem>>
        %dma_start3A_188 = tpu.memref_squeeze %dma_start3A_187 : memref<1x88xi32, #tpu.memory_space<vmem>> -> memref<88xi32, #tpu.memory_space<vmem>>
        %dma_start3A_189 = arith.constant 0 : i32
        %dma_start3A_190 = tpu.memref_slice %arg4[%add3A_13, %add3A_184, %dma_start3A_189] : memref<32x114x88xi32, #tpu.memory_space<hbm>> -> memref<1x1x88xi32, #tpu.memory_space<hbm>>
        %dma_start3A_191 = tpu.memref_squeeze %dma_start3A_190 : memref<1x1x88xi32, #tpu.memory_space<hbm>> -> memref<88xi32, #tpu.memory_space<hbm>>
        %dma_start3A_192 = arith.constant 0 : i32
        %dma_start3A_193 = tpu.memref_slice %arg6[%dma_start3A_185, %dma_start3A_192] : memref<117x88xi32, #tpu.memory_space<vmem>> -> memref<1x88xi32, #tpu.memory_space<vmem>>
        %dma_start3A_194 = tpu.memref_squeeze %dma_start3A_193 : memref<1x88xi32, #tpu.memory_space<vmem>> -> memref<88xi32, #tpu.memory_space<vmem>>
        %dma_start3A_195 = arith.constant 0 : i32
        %dma_start3A_196 = tpu.memref_slice %arg4[%add3A_13, %add3A_184, %dma_start3A_195] : memref<32x114x88xi32, #tpu.memory_space<hbm>> -> memref<1x1x88xi32, #tpu.memory_space<hbm>>
        %dma_start3A_197 = tpu.memref_squeeze %dma_start3A_196 : memref<1x1x88xi32, #tpu.memory_space<hbm>> -> memref<88xi32, #tpu.memory_space<hbm>>
        tpu.enqueue_dma source(%dma_start3A_197 : memref<88xi32, #tpu.memory_space<hbm>>) target(%dma_start3A_194 : memref<88xi32, #tpu.memory_space<vmem>>) target_semaphore(%arg16 : memref<!tpu.dma_semaphore, #tpu.memory_space<semaphore_mem>>)
        %add3A_198 = arith.constant 2 : i32
        %add3A_199 = arith.addi %add3A_86, %add3A_198 : i32
        %add3A_200 = arith.constant 3 : i32
        %add3A_201 = arith.addi %add3A_199, %add3A_200 : i32
        %dma_start3A_202 = arith.constant 0 : i32
        %dma_start3A_203 = tpu.memref_slice %arg6[%add3A_201, %dma_start3A_202] : memref<117x88xi32, #tpu.memory_space<vmem>> -> memref<1x88xi32, #tpu.memory_space<vmem>>
        %dma_start3A_204 = tpu.memref_squeeze %dma_start3A_203 : memref<1x88xi32, #tpu.memory_space<vmem>> -> memref<88xi32, #tpu.memory_space<vmem>>
        %dma_start3A_205 = arith.constant 0 : i32
        %dma_start3A_206 = arith.constant 0 : i32
        %dma_start3A_207 = tpu.memref_slice %arg2[%dma_start3A_205, %dma_start3A_206] : memref<10000x128xf32, #tpu.memory_space<hbm>> -> memref<10000x128xf32, #tpu.memory_space<hbm>>
        tpu.enqueue_indirect_dma source(%dma_start3A_207 : memref<10000x128xf32, #tpu.memory_space<hbm>>) target(%arg9 : memref<88x128xf32, #tpu.memory_space<vmem>>) offsets(%dma_start3A_204 : memref<88xi32, #tpu.memory_space<vmem>>) semaphore(%arg13 : memref<!tpu.dma_semaphore, #tpu.memory_space<semaphore_mem>>)
      } else {
      }
    }
    %scan3A_80 = arith.constant 38 : i32
    %barrier3A_81 = arith.constant 0 : index
    tpu.barrier barrier_id(%barrier3A_81)
    "tpu.region"() ({
      %run_scoped3A = tpu.sem_alloc : memref<!tpu.dma_semaphore, #tpu.memory_space<semaphore_mem>>
      %dma_start3A_82 = arith.constant 0 : i32
      %dma_start3A_83 = tpu.memref_slice %arg5[%arg0, %mul3A_0, %dma_start3A_82] : memref<2x10112x128xf32, #tpu.memory_space<hbm>> -> memref<1x632x128xf32, #tpu.memory_space<hbm>>
      %dma_start3A_84 = tpu.memref_squeeze %dma_start3A_83 : memref<1x632x128xf32, #tpu.memory_space<hbm>> -> memref<632x128xf32, #tpu.memory_space<hbm>>
      %dma_start3A_85 = arith.constant 0 : i32
      %dma_start3A_86 = tpu.memref_slice %arg10[%mul3A_0, %dma_start3A_85] : memref<10112x128xf32, #tpu.memory_space<vmem_shared>> -> memref<632x128xf32, #tpu.memory_space<vmem_shared>>
      tpu.enqueue_dma source(%dma_start3A_86 : memref<632x128xf32, #tpu.memory_space<vmem_shared>>) target(%dma_start3A_84 : memref<632x128xf32, #tpu.memory_space<hbm>>) target_semaphore(%run_scoped3A : memref<!tpu.dma_semaphore, #tpu.memory_space<semaphore_mem>>)
      %dma_wait3A = arith.constant 0 : i32
      %dma_wait3A_87 = tpu.memref_slice %arg5[%arg0, %mul3A_0, %dma_wait3A] : memref<2x10112x128xf32, #tpu.memory_space<hbm>> -> memref<1x632x128xf32, #tpu.memory_space<hbm>>
      %dma_wait3A_88 = tpu.memref_squeeze %dma_wait3A_87 : memref<1x632x128xf32, #tpu.memory_space<hbm>> -> memref<632x128xf32, #tpu.memory_space<hbm>>
      %dma_wait3A_89 = arith.constant 0 : i32
      %dma_wait3A_90 = tpu.memref_slice %arg10[%mul3A_0, %dma_wait3A_89] : memref<10112x128xf32, #tpu.memory_space<vmem_shared>> -> memref<632x128xf32, #tpu.memory_space<vmem_shared>>
      tpu.wait_dma2 semaphore(%run_scoped3A : memref<!tpu.dma_semaphore, #tpu.memory_space<semaphore_mem>>) src(%dma_wait3A_90 : memref<632x128xf32, #tpu.memory_space<vmem_shared>>) dst(%dma_wait3A_88 : memref<632x128xf32, #tpu.memory_space<hbm>>)
      tpu.yield
    }) : () -> ()
    return
  }
}

module attributes {stable_mosaic.version = 14 : i64} {
  func.func @_mm1_body(%arg0: i32, %arg1: memref<1000x128xf32, #tpu.memory_space<vmem>>, %arg2: memref<128x128xf32, #tpu.memory_space<vmem>>, %arg3: memref<1x128xf32, #tpu.memory_space<vmem>>, %arg4: memref<1000x128xf32, #tpu.memory_space<vmem>>) attributes {dimension_semantics = [#tpu.dimension_semantics<arbitrary>], iteration_bounds = array<i64: 10>, scalar_prefetch = 0 : i64, scratch_operands = 0 : i64, tpu.core_type = #tpu.core_type<tc>, window_params = [{transform_indices = @transform_0, window_bounds = array<i64: 1000, 128>}, {pipeline_mode = #tpu.pipeline_mode<synchronous>, transform_indices = @transform_1, window_bounds = array<i64: 128, 128>}, {pipeline_mode = #tpu.pipeline_mode<synchronous>, transform_indices = @transform_2, window_bounds = array<i64: 1, 128>}, {transform_indices = @transform_3, window_bounds = array<i64: 1000, 128>}]} {
    %get3A = arith.constant 0 : index
    %get3A_0 = arith.constant 0 : index
    %get3A_1 = vector.load %arg1[%get3A, %get3A_0] : memref<1000x128xf32, #tpu.memory_space<vmem>>, vector<1000x128xf32>
    %get3A_2 = arith.constant 0 : index
    %get3A_3 = arith.constant 0 : index
    %get3A_4 = vector.load %arg2[%get3A_2, %get3A_3] : memref<128x128xf32, #tpu.memory_space<vmem>>, vector<128x128xf32>
    %dot_general3A = arith.constant dense<0.000000e+00> : vector<1000x128xf32>
    %dot_general3A_5 = tpu.matmul %get3A_1, %get3A_4, %dot_general3A {dimension_numbers = #tpu.dot_dimension_numbers<[1], [0], [0], [1], [0, 0, 1, 1], [], []>, transpose_lhs_hint = false} : vector<1000x128xf32>, vector<128x128xf32>, vector<1000x128xf32> -> vector<1000x128xf32>
    %get3A_6 = arith.constant 0 : index
    %get3A_7 = arith.constant 0 : index
    %get3A_8 = vector.load %arg3[%get3A_6, %get3A_7] : memref<1x128xf32, #tpu.memory_space<vmem>>, vector<1x128xf32>
    %add3A = vector.broadcast %get3A_8 : vector<1x128xf32> to vector<1000x128xf32>
    %add3A_9 = arith.addf %dot_general3A_5, %add3A : vector<1000x128xf32>
    %max3A = arith.constant 0.000000e+00 : f32
    %max3A_10 = vector.broadcast %max3A : f32 to vector<1000x128xf32>
    %max3A_11 = arith.maximumf %add3A_9, %max3A_10 : vector<1000x128xf32>
    %swap3A = arith.constant 0 : index
    %swap3A_12 = arith.constant 0 : index
    %swap3A_13 = vector.load %arg4[%swap3A, %swap3A_12] : memref<1000x128xf32, #tpu.memory_space<vmem>>, vector<1000x128xf32>
    tpu.vector_store %arg4[%swap3A, %swap3A_12], %max3A_11 {strides = array<i32>} : memref<1000x128xf32, #tpu.memory_space<vmem>>, vector<1000x128xf32>,
    return
  }
  func.func @transform_0(%arg0: i32) -> (i32, i32) {
    %c0_i32 = arith.constant 0 : i32
    %c0_i32_0 = arith.constant 0 : i32
    return %arg0, %c0_i32 : i32, i32
  }
  func.func @transform_1(%arg0: i32) -> (i32, i32) {
    %c0_i32 = arith.constant 0 : i32
    %c0_i32_0 = arith.constant 0 : i32
    %c0_i32_1 = arith.constant 0 : i32
    return %c0_i32, %c0_i32_0 : i32, i32
  }
  func.func @transform_2(%arg0: i32) -> (i32, i32) {
    %c0_i32 = arith.constant 0 : i32
    %c0_i32_0 = arith.constant 0 : i32
    %c0_i32_1 = arith.constant 0 : i32
    return %c0_i32, %c0_i32_0 : i32, i32
  }
  func.func @transform_3(%arg0: i32) -> (i32, i32) {
    %c0_i32 = arith.constant 0 : i32
    %c0_i32_0 = arith.constant 0 : i32
    return %arg0, %c0_i32 : i32, i32
  }
}

module attributes {stable_mosaic.version = 14 : i64} {
  func.func @_mm2_body(%arg0: i32, %arg1: memref<2x1000x128xf32, #tpu.memory_space<vmem>>, %arg2: memref<1000x128xf32, #tpu.memory_space<vmem>>, %arg3: memref<128x128xf32, #tpu.memory_space<vmem>>, %arg4: memref<1x128xf32, #tpu.memory_space<vmem>>, %arg5: memref<1000x128xf32, #tpu.memory_space<vmem>>) attributes {dimension_semantics = [#tpu.dimension_semantics<arbitrary>], iteration_bounds = array<i64: 10>, scalar_prefetch = 0 : i64, scratch_operands = 0 : i64, tpu.core_type = #tpu.core_type<tc>, window_params = [{transform_indices = @transform_0, window_bounds = array<i64: 2, 1000, 128>}, {transform_indices = @transform_1, window_bounds = array<i64: 1000, 128>}, {pipeline_mode = #tpu.pipeline_mode<synchronous>, transform_indices = @transform_2, window_bounds = array<i64: 128, 128>}, {pipeline_mode = #tpu.pipeline_mode<synchronous>, transform_indices = @transform_3, window_bounds = array<i64: 1, 128>}, {transform_indices = @transform_4, window_bounds = array<i64: 1000, 128>}]} {
    %get3A = arith.constant 0 : index
    %get3A_0 = arith.constant 0 : index
    %get3A_1 = arith.constant 0 : index
    %get3A_2 = vector.load %arg1[%get3A, %get3A_0, %get3A_1] : memref<2x1000x128xf32, #tpu.memory_space<vmem>>, vector<1x1000x128xf32>
    %get3A_3 = vector.shape_cast %get3A_2 : vector<1x1000x128xf32> to vector<1000x128xf32>
    %get3A_4 = arith.constant 1 : index
    %get3A_5 = arith.constant 0 : index
    %get3A_6 = arith.constant 0 : index
    %get3A_7 = vector.load %arg1[%get3A_4, %get3A_5, %get3A_6] : memref<2x1000x128xf32, #tpu.memory_space<vmem>>, vector<1x1000x128xf32>
    %get3A_8 = vector.shape_cast %get3A_7 : vector<1x1000x128xf32> to vector<1000x128xf32>
    %add3A = arith.addf %get3A_3, %get3A_8 : vector<1000x128xf32>
    %get3A_9 = arith.constant 0 : index
    %get3A_10 = arith.constant 0 : index
    %get3A_11 = vector.load %arg3[%get3A_9, %get3A_10] : memref<128x128xf32, #tpu.memory_space<vmem>>, vector<128x128xf32>
    %dot_general3A = arith.constant dense<0.000000e+00> : vector<1000x128xf32>
    %dot_general3A_12 = tpu.matmul %add3A, %get3A_11, %dot_general3A {dimension_numbers = #tpu.dot_dimension_numbers<[1], [0], [0], [1], [0, 0, 1, 1], [], []>, transpose_lhs_hint = false} : vector<1000x128xf32>, vector<128x128xf32>, vector<1000x128xf32> -> vector<1000x128xf32>
    %get3A_13 = arith.constant 0 : index
    %get3A_14 = arith.constant 0 : index
    %get3A_15 = vector.load %arg4[%get3A_13, %get3A_14] : memref<1x128xf32, #tpu.memory_space<vmem>>, vector<1x128xf32>
    %add3A_16 = vector.broadcast %get3A_15 : vector<1x128xf32> to vector<1000x128xf32>
    %add3A_17 = arith.addf %dot_general3A_12, %add3A_16 : vector<1000x128xf32>
    %max3A = arith.constant 0.000000e+00 : f32
    %max3A_18 = vector.broadcast %max3A : f32 to vector<1000x128xf32>
    %max3A_19 = arith.maximumf %add3A_17, %max3A_18 : vector<1000x128xf32>
    %get3A_20 = arith.constant 0 : index
    %get3A_21 = arith.constant 0 : index
    %get3A_22 = vector.load %arg2[%get3A_20, %get3A_21] : memref<1000x128xf32, #tpu.memory_space<vmem>>, vector<1000x128xf32>
    %add3A_23 = arith.addf %max3A_19, %get3A_22 : vector<1000x128xf32>
    %swap3A = arith.constant 0 : index
    %swap3A_24 = arith.constant 0 : index
    %swap3A_25 = vector.load %arg5[%swap3A, %swap3A_24] : memref<1000x128xf32, #tpu.memory_space<vmem>>, vector<1000x128xf32>
    tpu.vector_store %arg5[%swap3A, %swap3A_24], %add3A_23 {strides = array<i32>} : memref<1000x128xf32, #tpu.memory_space<vmem>>, vector<1000x128xf32>,
    return
  }
  func.func @transform_0(%arg0: i32) -> (i32, i32, i32) {
    %c0_i32 = arith.constant 0 : i32
    %c0_i32_0 = arith.constant 0 : i32
    %c0_i32_1 = arith.constant 0 : i32
    return %c0_i32, %arg0, %c0_i32_0 : i32, i32, i32
  }
  func.func @transform_1(%arg0: i32) -> (i32, i32) {
    %c0_i32 = arith.constant 0 : i32
    %c0_i32_0 = arith.constant 0 : i32
    return %arg0, %c0_i32 : i32, i32
  }
  func.func @transform_2(%arg0: i32) -> (i32, i32) {
    %c0_i32 = arith.constant 0 : i32
    %c0_i32_0 = arith.constant 0 : i32
    %c0_i32_1 = arith.constant 0 : i32
    return %c0_i32, %c0_i32_0 : i32, i32
  }
  func.func @transform_3(%arg0: i32) -> (i32, i32) {
    %c0_i32 = arith.constant 0 : i32
    %c0_i32_0 = arith.constant 0 : i32
    %c0_i32_1 = arith.constant 0 : i32
    return %c0_i32, %c0_i32_0 : i32, i32
  }
  func.func @transform_4(%arg0: i32) -> (i32, i32) {
    %c0_i32 = arith.constant 0 : i32
    %c0_i32_0 = arith.constant 0 : i32
    return %arg0, %c0_i32 : i32, i32
  }
}

</mosaic_0001>

<sc_bundles>
// kernel: kernel.5.cloned.1.call-start
scs
__scs_entry_jumppad:
0x0: {  	(pc) =	sbr.rel $0x88, $3  }
0x1: {  	(tag) =	ssettag $0x0;
	lr =	simm.s32 $0x1  }
0x2: {  	[smem:$0x3F9B] =	sst lr;
	_ =	strace $0xD0000000  }
0x3: {  	_ = 	snop  }
0x4: {  	_ = 	snop  }
0x5: {  	_ = 	snop  }
0x6: {  	_ = 	snop  }
0x7: {  	_ = 	snop  }
__scs_overlays_trampoline_lowered:
0x8: {  	[smem:$0x3FAA] =	sst s0  }
0x9: {  	[smem:$0x3FAB] =	sst s1  }
0xa: {  	[smem:$0x3FAC] =	sst s2  }
0xb: {  	[smem:$0x3FAD] =	sst s3  }
0xc: {  	[smem:$0x3FAE] =	sst s4  }
0xd: {  	[smem:$0x3FAF] =	sst s5  }
0xe: {  	[smem:$0x3FB0] =	sst s6  }
0xf: {  	[smem:$0x3FB1] =	sst s7  }
0x10: {  	[smem:$0x3FB2] =	sst s8  }
0x11: {  	[smem:$0x3FB3] =	sst s9;
	s0 =	simm.s32 @!p0 $0x0  }
0x12: {  	s1 =	sld [smem:$0x3F99];
	s0 =	simm.s32 @p0 $0x1  }
0x13: {  	[smem:$0x3FB4] =	sst s0;
	s0 =	simm.s32 @!p1 $0x0  }
0x14: {  	s2 =	sld [smem:$0x3F98];
	s0 =	simm.s32 @p1 $0x1  }
0x15: {  	[smem:$0x3FB5] =	sst s0;
	s0 =	simm.s32 @!p2 $0x0  }
0x16: {  	s3 =	sld [smem:$0x3FDB];
	s0 =	simm.s32 @p2 $0x1  }
0x17: {  	s4 =	simm.s32 $0x1BF5;
	[smem:$0x3FB7] =	sst s0  }
0x18: {  	s0 =	sld [smem:$0x3F9A];
	_ =	swait.ge [sflag:s4], $0x0  }
0x19: {  	s7 =	sld [smem:$0x3F9B]  }
0x1a: {  	s8 =	sadd.s32 $0xFFFFE003, lr  }
0x1b: {  	s9 =	sadd.s32 $0xFFFFFEF7, lr;
	s5 =	simm.s32 $0xFFFFFFFF;
	p2 =	slt.u32 s8, $0xFFFFF086  }
0x1c: {  	p1 =	slt.u32 s9, $0xF7A;
	s5 =	simm.s32 @!p2 $0x0  }
0x1d: {  	s5 =	simm.s32 @p1 $0x1;
	p0 =	seq.s32 s7, s2  }
0x1e: {  	s7 =	smul.u32 @!p0 $0xF7A, s2;
	p2 =	seq.s32 @!p0 s5, $0x0  }
0x1f: {  	s9 =	smul.u32 $0xF7A, s1;
	s8 =	simm.s32 @!p0 $0x1BF5;
	p2 =	por !p2, p0  }
0x20: {  	[sflag:s8] =	ssyncset.s32 @!p0 $0xFFFFF086;
	s6 =	sadd.s32 @!p0 s3, s7;
	s7 =	simm.s32 @!p0 $0x108  }
0x21: {  	s3 =	sadd.s32 s3, s9;
	s6 =	sadd.s32 @!p0 $0x88, s6;
	s7 =	simm.s32 @p2 $0x1082  }
0x22: {  	[simem:s7], [sflag:s8] =	dma.local @!p0 [hbm:s6], $0xF7A  }
0x23: {  	s9 =	sor.u32 $0xD0000000, s2;
	s6 =	simm.s32 $0x108;
	_ =	swait.ge @!p0 [sflag:s8], $0x0  }
0x24: {  	s3 =	sadd.s32 $0x88, s3;
	s6 =	simm.s32 @!p1 $0x1082;
	[sflag:s4] =	ssyncset.s32 $0xFFFFF086  }
0x25: {  	[simem:s6], [sflag:s4] =	dma.local [hbm:s3], $0xF7A  }
0x26: {  	[smem:$0x3F9B] =	sst s1;
	(tag) =	ssettag s2;
	_ =	strace s9  }
0x27: {  	s1 =	sld [smem:$0x3FAB]  }
0x28: {  	s2 =	sld [smem:$0x3FAC]  }
0x29: {  	s4 =	sld [smem:$0x3FAE]  }
0x2a: {  	p0 =	seq.s32 s5, $0x0;
	s5 =	sld [smem:$0x3FAF]  }
0x2b: {  	s6 =	sld [smem:$0x3FB0]  }
0x2c: {  	s7 =	sld [smem:$0x3FB1]  }
0x2d: {  	s3 =	simm.s32 $0x108;
	s8 =	sld [smem:$0x3FB2]  }
0x2e: {  	s3 =	simm.s32 @!p0 $0x1082;
	s9 =	sld [smem:$0x3FB3]  }
0x2f: {  	lr =	sadd.s32 s0, s3;
	s0 =	sld [smem:$0x3FAA]  }
0x30: {  	s3 =	sld [smem:$0x3FAD]  }
0x31: {  	[smem:$0x3FB6] =	sst s10  }
0x32: {  	s10 =	sld [smem:$0x3FB4];
	_ =	sdelay $0x3  }
0x33: {  	p0 =	seq.s32 s10, $0x1;
	s10 =	sld [smem:$0x3FB6];
	_ =	sdelay $0x3  }
0x34: {  	[smem:$0x3FB6] =	sst s10  }
0x35: {  	s10 =	sld [smem:$0x3FB5];
	_ =	sdelay $0x3  }
0x36: {  	p1 =	seq.s32 s10, $0x1;
	s10 =	sld [smem:$0x3FB6];
	_ =	sdelay $0x3  }
0x37: {  	[smem:$0x3FB6] =	sst s10  }
0x38: {  	s10 =	sld [smem:$0x3FB7]  }
0x39: {  	_ = 	snop;
	(pc) =	sbr.ind lr, $3  }
0x3a: {  	_ = 	snop  }
0x3b: {  	_ = 	snop  }
0x3c: {  	p2 =	seq.s32 s10, $0x1;
	s10 =	sld [smem:$0x3FB6]  }
0x3d: {  	_ =	shalt  }
0x3e: {  	_ =	shalt  }
0x3f: {  	_ =	shalt  }
0x40: {  	_ =	shalt  }
0x41: {  	_ =	shalt  }
0x42: {  	_ =	shalt  }
0x43: {  	_ =	shalt  }
0x44: {  	_ =	shalt  }
0x45: {  	_ =	shalt  }
0x46: {  	_ =	shalt  }
0x47: {  	_ =	shalt  }
0x48: {  	_ =	shalt  }
0x49: {  	_ =	shalt  }
0x4a: {  	_ =	shalt  }
0x4b: {  	_ =	shalt  }
0x4c: {  	_ =	shalt  }
0x4d: {  	_ =	shalt  }
0x4e: {  	_ =	shalt  }
0x4f: {  	_ =	shalt  }
0x50: {  	_ =	shalt  }
0x51: {  	_ =	shalt  }
0x52: {  	_ =	shalt  }
0x53: {  	_ =	shalt  }
0x54: {  	_ =	shalt  }
0x55: {  	_ =	shalt  }
0x56: {  	_ =	shalt  }
0x57: {  	_ =	shalt  }
0x58: {  	_ =	shalt  }
0x59: {  	_ =	shalt  }
0x5a: {  	_ =	shalt  }
0x5b: {  	_ =	shalt  }
0x5c: {  	_ =	shalt  }
0x5d: {  	_ =	shalt  }
0x5e: {  	_ =	shalt  }
0x5f: {  	_ =	shalt  }
0x60: {  	_ =	shalt  }
0x61: {  	_ =	shalt  }
0x62: {  	_ =	shalt  }
0x63: {  	_ =	shalt  }
0x64: {  	_ =	shalt  }
0x65: {  	_ =	shalt  }
0x66: {  	_ =	shalt  }
0x67: {  	_ =	shalt  }
0x68: {  	_ =	shalt  }
0x69: {  	_ =	shalt  }
0x6a: {  	_ =	shalt  }
0x6b: {  	_ =	shalt  }
0x6c: {  	_ =	shalt  }
0x6d: {  	_ =	shalt  }
0x6e: {  	_ =	shalt  }
0x6f: {  	_ =	shalt  }
0x70: {  	_ =	shalt  }
0x71: {  	_ =	shalt  }
0x72: {  	_ =	shalt  }
0x73: {  	_ =	shalt  }
0x74: {  	_ =	shalt  }
0x75: {  	_ =	shalt  }
0x76: {  	_ =	shalt  }
0x77: {  	_ =	shalt  }
0x78: {  	_ =	shalt  }
0x79: {  	_ =	shalt  }
0x7a: {  	_ =	shalt  }
0x7b: {  	_ =	shalt  }
0x7c: {  	_ =	shalt  }
0x7d: {  	_ =	shalt  }
0x7e: {  	_ =	shalt  }
0x7f: {  	_ =	shalt  }
0x80: {  	_ =	shalt  }
0x81: {  	_ =	shalt  }
0x82: {  	_ =	shalt  }
0x83: {  	_ =	shalt  }
0x84: {  	_ =	shalt  }
0x85: {  	_ =	shalt  }
0x86: {  	_ =	shalt  }
0x87: {  	_ =	shalt  }
.Lfunc_end0:
.L_simem_size_0:
called_computation_lowered:
.L_overlay_start_0:
0x88: {  	s2 =	sld [smem:$0x3FD9]  }
0x89: {  	s3 =	sld [smem:$0x3FFE];
	_ =	sdelay $0x1  }
0x8a: {  	s1 =	srdreg.scid  }
0x8b: {  	s0 =	sand.u32 $0x1, s1  }
0x8c: {  	s17 =	sshll.u32 s0, $0xA;
	s2 =	sadd.s32 s3, s2  }
0x8d: {  	s2 =	sadd.s32 s2, s17  }
0x8e: {  	[smem:$0x3FC2] =	sst s2  }
0x8f: {  	_ = 	snop  }
0x90: {  	s2 =	sld [smem:$0x3FD0];
	(tm) =	ssettm $0x1  }
0x91: {  	s18 =	sld [smem:$0x3FFB];
	_ =	sdelay $0x3  }
0x92: {  	_ =	strace s18  }
0x93: {  	s3 =	sld [smem:$0x3FFC];
	_ =	sdelay $0x3  }
0x94: {  	_ =	strace s3  }
0x95: {  	s3 =	sld [smem:$0x3FFD];
	_ =	sdelay $0x3  }
0x96: {  	_ =	strace s3  }
0x97: {  	_ =	strace $0x8FFFFFFF  }
0x98: {  	s19 =	sld [smem:$0x3FDB];
	_ =	sdelay $0x1  }
0x99: {  	s4 =	simm.s32 $_scs_section_size  }
0x9a: {  	s5 =	simm.s32 $_size__tile_overlayer_lowered;
	s6 =	simm.s32 $_tile_overlayer_lowered  }
0x9b: {  	s22 =	simm.s32 $0x1BFF;
	s21 =	sshll.u32 s6, $0x1;
	s3 =	sadd.s32 s4, s19  }
0x9c: {  	s7 =	simm.s32 $0x0;
	s20 =	sshll.u32 s5, $0x1;
	s5 =	sadd.s32 s21, s3  }
0x9d: {  	[timem:s7], [sflag:s22] =	dma.local [hbm:s5], s20  }
0x9e: {  	_ =	swait.ge [sflag:s22], s20  }
0x9f: {  	s4 =	ssub.s32 $0x0, s20;
	[sflag:s22] =	ssyncset.done $0x0  }
0xa0: {  	[sflag:s22] =	ssyncadd.s32 s4;
	_ =	sdelay $0x1  }
0xa1: {  	s23 =	simm.s32 $0x1B8B  }
0xa2: {  	_ =	swait.ge [sflag:s23], $0x1  }
0xa3: {  	[sflag:s23] =	ssyncset.done $0x0  }
0xa4: {  	s25 =	simm.s32 $0x1B8E;
	s24 =	sld [smem:$0x3FFE];
	[sflag:s23] =	ssyncadd.s32 $0xFFFFFFFF  }
0xa5: {  	s26 =	simm.s32 $execute0_lowered;
	[smem:$0x3FD2] =	sst s25  }
0xa6: {  	s5 =	sshll.u32 s26, $0x1;
	_ =	strace $0x80000046;
	[dreg:$0x1] =	wrdreg $0xFFFFFFFF  }
0xa7: {  	s28 =	simm.s32 $_size_execute0_lowered;
	s3 =	sadd.s32 s3, s5;
	[dreg:$0x0] =	wrdreg $0x0  }
0xa8: {  	s5 =	sshll.u32 s28, $0x1;
	[dreg:$0x2] =	wrdreg s3  }
0xa9: {  	[dreg:$0x3] =	wrdreg s5  }
0xaa: {  	[dreg:$0x4] =	wrdreg $0xC0  }
0xab: {  	_ =	task [dreg:s7], $0x5FFFF  }
0xac: {  	[dreg:$0x1] =	wrdreg $0xFFFFFFFF  }
0xad: {  	[dreg:$0x0] =	wrdreg $0x60  }
0xae: {  	[dreg:$0x2] =	wrdreg s2  }
0xaf: {  	[dreg:$0x3] =	wrdreg s24  }
0xb0: {  	[dreg:$0x4] =	wrdreg $0xC0000  }
0xb1: {  	[dreg:$0x5] =	wrdreg $0x9  }
0xb2: {  	_ =	task.clear_ibuf [dreg:s7], $0x6FFFF;
	_ =	strace $0x90000046  }
0xb3: {  	s29 =	simm.s32 $0x9;
	_ =	strace $0x80000048  }
0xb4: {  	_ =	swait.ge [sflag:s29], $0x1  }
0xb5: {  	[sflag:s29] =	ssyncadd.s32 $0xFFFFFFFF  }
0xb6: {  	_ =	strace $0x90000048  }
0xb7: {  	_ =	sfence  }
0xb8: {  	s30 =	sld [smem:$0x0];
	_ =	sdelay $0x2  }
0xb9: {  	s31 =	sshll.u32 s1, $0xD;
	s1 =	sshrl.u32 s1, $0x2  }
0xba: {  	s3 =	sand.u32 $0x4000, s31;
	s1 =	sadd.s32 s1, s30  }
0xbb: {  	s0 =	sor.u32 s3, s0;
	s1 =	sshll.u32 s1, $0x11  }
0xbc: {  	s0 =	sor.u32 s1, s0  }
0xbd: {  	s0 =	sadd.s32 $0x8F2B, s0  }
0xbe: {  	[sflag:s0] =	ssyncadd.remote.s32 $0x1  }
0xbf: {  	_ =	sfence.sel $0xFFFF  }
0xc0: {  	[dreg:$0x0] =	wrdreg $0xFFFFFFFF;
	(pc) =	sbr.abs _section_cstart, $3  }
0xc1: {  	[dreg:$0x1] =	wrdreg $0xFFFFFFFF  }
0xc2: {  	_ =	task.clear_ibuf [dreg:s7], $0x2FFFF;
	_ =	strace $0x9FFFFFFF  }
0xc3: {  	(tm) =	ssettm $0x7FFFFFFF  }
tec
execute0_lowered:
.L_overlay_start_1:
0x0: {  	(tag) =	ssettag $0x1  }
0x1: {  	s1 =	rddreg [dreg:$0x0]  }
0x2: {  	s0 =	srdreg.scid;
	s7 =	rddreg [dreg:$0x1]  }
0x3: {  	s10 =	stileid.u32;
	s3 =	rddreg [dreg:$0x2]  }
0x4: {  	s5 =	simm.s32 $0x0;
	s21 =	simm.s32 $0x3C00;
	s29 =	simm.s32 $0x3A00  }
0x5: {  	s31 =	simm.s32 $0x9400;
	s28 =	simm.s32 $0x0;
	s6 =	smul.u32 $0x13C00, s10  }
0x6: {  	s0 =	sand.u32 $0x1, s0;
	s2 =	sshll.u32 s10, $0x1;
	s10 =	smul.u32 $0x4F000, s10  }
0x7: {  	[smem:$0x7FF] =	sst s5;
	s2 =	sor.u32 s0, s2;
	s22 =	smul.u32 $0x13C000, s0  }
0x8: {  	_ =	strace $0x80000047;
	s0 =	ssub.s32 $0x2, s0;
	s4 =	smul.u32 $0x3C00, s2  }
0x9: {  	s23 =	sshrl.u32 s0, $0x1;
	s10 =	sshrl.u32 s10, $0x2;
	s2 =	sadd.s32 s6, s22  }
0xa: {  	s6 =	sadd.s32 $0x1200, s7;
	s0 =	ssub.s32 s0, s23;
	s22 =	simm.s32 $0x7  }
0xb: {  	s8 =	sshrl.u32 s4, $0x3;
	s2 =	sshrl.u32 s2, $0x3;
	s0 =	smax.u32 s0, $0x1  }
0xc: {  	s9 =	sadd.s32 s8, s7;
	s2 =	sadd.s32 s2, s7;
	s7 =	sadd.s32 s10, s3  }
0xd: {  	s23 =	simm.s32 $0x3900;
	[dreg:$0x9] =	wrdreg s0;
	s10 =	sadd.s32 $0x13400, s7  }
0xe: {  	s8 =	sadd.s32 s6, s8;
	s9 =	sadd.s32 $0x10200, s9;
	[dreg:$0x4] =	wrdreg s10  }
0xf: {  	s0 =	simm.s32 $0x1;
	s24 =	sadd.s32 $0x10, s8;
	[dreg:$0x5] =	wrdreg s9  }
0x10: {  	s25 =	sadd.s32 $0x20, s8;
	s2 =	sadd.s32 $0x1F200, s2;
	[dreg:$0x6] =	wrdreg s24  }
.Ltmp0:
0x11: {  	s26 =	sadd.s32 $0x2C00, s7;
	[dreg:$0x7] =	wrdreg s25;
	(pc) =	sbr.rel .LBB2_1-.Ltmp0, $4  }
0x12: {  	s30 =	sadd.s32 $0x5800, s7;
	s17 =	sadd.s32 $0x8400, s7;
	[dreg:$0x8] =	wrdreg s2  }
0x13: {  	s18 =	sadd.s32 $0xB000, s7;
	s19 =	sadd.s32 $0xDC00, s7;
	[dreg:$0xa] =	wrdreg s26  }
0x14: {  	s20 =	sadd.s32 $0x10800, s7;
	[dreg:$0xb] =	wrdreg s30;
	s24 =	simm.s32 $0x58  }
0x15: {  	v0 =	vimm.f32 $0.0e+00;
	s2 =	simm.s32 $0x4;
	s25 =	simm.s32 $0x6;
	s26 =	simm.s32 $0x3  }
.LBB2_6:
0x16: {  	s9 =	stileid.u32  }
0x17: {  	[bflag:$0x0] =	sbarrier.arrive $0xFFFF;
	s9 =	sshll.u32 s9, $0x6  }
0x18: {  	s10 =	sshrl.u32 s7, $0x3;
	s11 =	rddreg [dreg:$0x8];
	s9 =	sor.u32 $0x1C07, s9  }
0x19: {  	[hbm:s11], [sflag:s9] =	dma.local [spmem:s10], $0x2780  }
0x1a: {  	_ =	swait.ge [sflag:s22], $0x2780  }
0x1b: {  	s28 =	sadd.s32 $0x1, s28;
	s30 =	rddreg [dreg:$0x9]  }
0x1c: {  	p0 =	sne.s32 s28, s30  }
.Ltmp1:
0x1d: {  	_ = 	snop;
	(pc) =	sbr.rel @!p0 .LBB2_7-.Ltmp1, $3  }
0x1e: {  	_ =	sdelay $0x1  }
0x1f: {  	[sflag:s22] =	ssyncset.done $0x0  }
0x20: {  	[sflag:s22] =	ssyncadd.s32 $0xFFFFD880  }
.LBB2_1:
0x21: {  	s9 =	simm.s32 $0x70;
	s30 =	simm.s32 $0x3C0  }
.LBB2_2:
0x22: {  	p0 =	sne.s32 s30, $0xAFC0;
	[tilespmem:s9+$0x3C00] =	vst v0  }
0x23: {  	[tilespmem:s9+$0x3B90] =	vst v0  }
0x24: {  	[tilespmem:s9+$0x3BA0] =	vst v0  }
.Ltmp2:
0x25: {  	[tilespmem:s9+$0x3BB0] =	vst v0;
	(pc) =	sbr.rel @p0 .LBB2_2-.Ltmp2, $4  }
0x26: {  	[tilespmem:s9+$0x3BC0] =	vst v0  }
0x27: {  	[tilespmem:s9+$0x3BD0] =	vst v0  }
0x28: {  	[tilespmem:s9+$0x3BE0] =	vst v0  }
0x29: {  	[tilespmem:s9+$0x3BF0] =	vst v0;
	s9 =	sshra.s32 s30, $0x2;
	s30 =	sadd.s32 $0x200, s30  }
0x2a: {  	[tilespmem:s9+$0x3C00] =	vst v0  }
0x2b: {  	[tilespmem:s9+$0x3B90] =	vst v0  }
0x2c: {  	[tilespmem:s9+$0x3BA0] =	vst v0  }
0x2d: {  	[tilespmem:s9+$0x3BB0] =	vst v0  }
0x2e: {  	[tilespmem:s9+$0x3BC0] =	vst v0  }
0x2f: {  	[tilespmem:s9+$0x3BD0] =	vst v0  }
0x30: {  	[tilespmem:s9+$0x3BE0] =	vst v0  }
0x31: {  	[tilespmem:s9+$0x3BF0] =	vst v0  }
0x32: {  	[spmem:s7] =	stream.linear.scatter [tilespmem:s21], [sflag:$0x7], $0x2C00, $0x38;
	[tilespmem:$0x1FC00] =	vst v63  }
0x33: {  	_ =	swait.ge [sflag:s22], $0x2C00  }
0x34: {  	[sflag:s22] =	ssyncset.done $0x0  }
0x35: {  	s15 =	rddreg [dreg:$0xa];
	[sflag:s22] =	ssyncadd.s32 $0xFFFFD400  }
0x36: {  	[spmem:s15] =	stream.linear.scatter [tilespmem:s21], [sflag:$0x7], $0x2C00, $0x38;
	[tilespmem:$0x1FC00] =	vst v63  }
0x37: {  	_ =	swait.ge [sflag:s22], $0x2C00  }
0x38: {  	[sflag:s22] =	ssyncset.done $0x0  }
0x39: {  	s16 =	rddreg [dreg:$0xb];
	[sflag:s22] =	ssyncadd.s32 $0xFFFFD400  }
0x3a: {  	[spmem:s16] =	stream.linear.scatter [tilespmem:s21], [sflag:$0x7], $0x2C00, $0x38;
	[tilespmem:$0x1FC00] =	vst v63  }
0x3b: {  	_ =	swait.ge [sflag:s22], $0x2C00  }
0x3c: {  	[sflag:s22] =	ssyncset.done $0x0  }
0x3d: {  	[sflag:s22] =	ssyncadd.s32 $0xFFFFD400  }
0x3e: {  	[spmem:s17] =	stream.linear.scatter [tilespmem:s21], [sflag:$0x7], $0x2C00, $0x38;
	[tilespmem:$0x1FC00] =	vst v63  }
0x3f: {  	_ =	swait.ge [sflag:s22], $0x2C00  }
0x40: {  	[sflag:s22] =	ssyncset.done $0x0  }
0x41: {  	[sflag:s22] =	ssyncadd.s32 $0xFFFFD400  }
0x42: {  	[spmem:s18] =	stream.linear.scatter [tilespmem:s21], [sflag:$0x7], $0x2C00, $0x38;
	[tilespmem:$0x1FC00] =	vst v63  }
0x43: {  	_ =	swait.ge [sflag:s22], $0x2C00  }
0x44: {  	[sflag:s22] =	ssyncset.done $0x0  }
0x45: {  	[sflag:s22] =	ssyncadd.s32 $0xFFFFD400  }
0x46: {  	[spmem:s19] =	stream.linear.scatter [tilespmem:s21], [sflag:$0x7], $0x2C00, $0x38;
	[tilespmem:$0x1FC00] =	vst v63  }
0x47: {  	_ =	swait.ge [sflag:s22], $0x2C00  }
0x48: {  	[sflag:s22] =	ssyncset.done $0x0  }
0x49: {  	[sflag:s22] =	ssyncadd.s32 $0xFFFFD400  }
0x4a: {  	[spmem:s20] =	stream.linear.scatter [tilespmem:s21], [sflag:$0x7], $0x2C00, $0x38;
	[tilespmem:$0x1FC00] =	vst v63  }
0x4b: {  	_ =	swait.ge [sflag:s22], $0x2C00  }
0x4c: {  	[sflag:s22] =	ssyncset.done $0x0  }
0x4d: {  	s10 =	rddreg [dreg:$0x4];
	[sflag:s22] =	ssyncadd.s32 $0xFFFFD400  }
0x4e: {  	[spmem:s10] =	stream.linear.scatter [tilespmem:s21], [sflag:$0x7], $0x800, $0x38;
	[tilespmem:$0x1FC00] =	vst v63  }
0x4f: {  	_ =	swait.ge [sflag:s22], $0x800  }
0x50: {  	[sflag:s22] =	ssyncset.done $0x0  }
0x51: {  	s11 =	rddreg [dreg:$0x5];
	[sflag:s22] =	ssyncadd.s32 $0xFFFFF800  }
0x52: {  	[tilespmem:s5], [sflag:$0x7] =	stream.linear.gather [hbm4b:s11+s5], $0x3900, $0x38;
	[tilespmem:$0x1FC00] =	vst v63  }
0x53: {  	_ =	swait.ge [sflag:s22], $0x3900  }
0x54: {  	[sflag:s22] =	ssyncset.done $0x0  }
0x55: {  	[sflag:s22] =	ssyncadd.s32 $0xFFFFC700  }
0x56: {  	[bflag:$0x0] =	sbarrier.arrive $0xFFFF  }
0x57: {  	[tilespmem:s23], [sflag:$0x4] =	stream.linear.gather [hbm4b:s8+s5], $0x80, $0x38;
	[tilespmem:$0x1FC00] =	vst v63  }
0x58: {  	_ = 	snop  }
0x59: {  	[tilespmem:s21], [sflag:$0x1] =	stream.indirect.gather [hbm4b:s1+s24], $0x80, s5, s24, $0xb8;
	[tilespmem:$0x1FC00] =	vst v63  }
0x5a: {  	s10 =	simm.s32 $0x3980;
	s12 =	rddreg [dreg:$0x6]  }
0x5b: {  	[tilespmem:s10], [sflag:$0x5] =	stream.linear.gather [hbm4b:s12+s5], $0x80, $0x38;
	[tilespmem:$0x1FC00] =	vst v63  }
0x5c: {  	s13 =	simm.s32 $0x80;
	s14 =	simm.s32 $0x6800  }
0x5d: {  	[tilespmem:s14], [sflag:$0x2] =	stream.indirect.gather [hbm4b:s1+s24], $0x80, s13, s24, $0xb8;
	[tilespmem:$0x1FC00] =	vst v63  }
0x5e: {  	s15 =	rddreg [dreg:$0x7]  }
0x5f: {  	[tilespmem:s29], [sflag:$0x6] =	stream.linear.gather [hbm4b:s15+s5], $0x80, $0x38;
	[tilespmem:$0x1FC00] =	vst v63  }
0x60: {  	s30 =	simm.s32 $0x280;
	s9 =	simm.s32 $0x280;
	s16 =	simm.s32 $0x100  }
0x61: {  	[tilespmem:s31], [sflag:$0x3] =	stream.indirect.gather [hbm4b:s1+s24], $0x80, s16, s24, $0xb8;
	[tilespmem:$0x1FC00] =	vst v63  }
.LBB2_4:
0x62: {  	_ =	swait.ge [sflag:s2], $0x80  }
0x63: {  	[sflag:s2] =	ssyncset.done $0x0  }
0x64: {  	[sflag:s2] =	ssyncadd.s32 $0xFFFFFF80  }
0x65: {  	_ =	swait.ge [sflag:s0], $0x2C00  }
0x66: {  	[sflag:s0] =	ssyncset.done $0x0  }
0x67: {  	[sflag:s0] =	ssyncadd.s32 $0xFFFFD400  }
0x68: {  	[spmem:s3] =	stream.indirect.scatter.add.f32 [tilespmem:s21], [sflag:$0x7], $0x80, s23, s24, $0xb8;
	[tilespmem:$0x1FC00] =	vst v63  }
0x69: {  	_ =	swait.ge [sflag:s22], $0x2C00  }
0x6a: {  	p0 =	seq.s32 s9, $0x3A00;
	[sflag:s22] =	ssyncset.done $0x0  }
0x6b: {  	s10 =	simm.s32 @p0 $0x5;
	[sflag:s22] =	ssyncadd.s32 $0xFFFFD400  }
0x6c: {  	_ =	swait.ge @p0 [sflag:s10], $0x80  }
0x6d: {  	[sflag:s10] =	ssyncset.done @p0 $0x0  }
0x6e: {  	[sflag:s10] =	ssyncadd.s32 @p0 $0xFFFFFF80;
	s10 =	simm.s32 @p0 $0x2  }
0x6f: {  	_ =	swait.ge @p0 [sflag:s10], $0x2C00  }
0x70: {  	s11 =	simm.s32 @p0 $0x3980;
	[sflag:s10] =	ssyncset.done @p0 $0x0  }
0x71: {  	s12 =	simm.s32 @p0 $0x6800;
	[sflag:s10] =	ssyncadd.s32 @p0 $0xFFFFD400;
	s10 =	simm.s32 @p0 $0x58  }
0x72: {  	[spmem:s3] =	stream.indirect.scatter.add.f32 @p0 [tilespmem:s12], [sflag:$0x7], $0x80, s11, s10, $0xb8;
	[tilespmem:$0x1FC00] =	vst v63  }
0x73: {  	s10 =	sadd.s32 @!p0 $0xFFFFFF00, s9  }
0x74: {  	s11 =	simm.s32 @p0 $0x7;
	s12 =	sand.u32 @!p0 $0xFC00, s10  }
0x75: {  	_ =	swait.ge @p0 [sflag:s11], $0x2C00;
	s10 =	sand.u32 @!p0 $0x380, s10;
	s12 =	sadd.s32 @!p0 s4, s12  }
0x76: {  	[sflag:s11] =	ssyncset.done @p0 $0x0;
	s10 =	sor.u32 @!p0 s10, s12  }
0x77: {  	[sflag:s11] =	ssyncadd.s32 @p0 $0xFFFFD400;
	s10 =	sshrl.u32 @!p0 s10, $0x3  }
0x78: {  	s11 =	simm.s32 @!p0 $0x0;
	s12 =	simm.s32 @!p0 $0x3900;
	s10 =	sadd.s32 @!p0 s6, s10  }
0x79: {  	[tilespmem:s12], [sflag:$0x4] =	stream.linear.gather @!p0 [hbm4b:s10+s11], $0x80, $0x38;
	[tilespmem:$0x1FC00] =	vst v63  }
0x7a: {  	s13 =	simm.s32 @!p0 $0x3C00;
	s10 =	sadd.s32 @!p0 $0xFFFFFF00, s30;
	s12 =	simm.s32 @!p0 $0x58  }
0x7b: {  	[tilespmem:s13], [sflag:$0x1] =	stream.indirect.gather @!p0 [hbm4b:s1+s12], $0x80, s10, s12, $0xb8;
	[tilespmem:$0x1FC00] =	vst v63  }
0x7c: {  	s10 =	simm.s32 @!p0 $0x5  }
0x7d: {  	_ =	swait.ge @!p0 [sflag:s10], $0x80  }
0x7e: {  	[sflag:s10] =	ssyncset.done @!p0 $0x0  }
0x7f: {  	s14 =	sadd.s32 @!p0 $0xFFFFFF80, s9;
	[sflag:s10] =	ssyncadd.s32 @!p0 $0xFFFFFF80;
	s10 =	simm.s32 @!p0 $0x2  }
0x80: {  	s16 =	simm.s32 @!p0 $0x7;
	s15 =	sand.u32 @!p0 $0xFC00, s14;
	_ =	swait.ge @!p0 [sflag:s10], $0x2C00  }
0x81: {  	s14 =	sand.u32 @!p0 $0x380, s14;
	s15 =	sadd.s32 @!p0 s4, s15;
	[sflag:s10] =	ssyncset.done @!p0 $0x0  }
0x82: {  	s13 =	simm.s32 @!p0 $0x6800;
	[sflag:s10] =	ssyncadd.s32 @!p0 $0xFFFFD400;
	s10 =	simm.s32 @!p0 $0x3980  }
0x83: {  	[spmem:s3] =	stream.indirect.scatter.add.f32 @!p0 [tilespmem:s13], [sflag:$0x7], $0x80, s10, s12, $0xb8;
	[tilespmem:$0x1FC00] =	vst v63  }
0x84: {  	s14 =	sor.u32 @!p0 s14, s15;
	_ =	swait.ge @!p0 [sflag:s16], $0x2C00  }
0x85: {  	s14 =	sshrl.u32 @!p0 s14, $0x3;
	[sflag:s16] =	ssyncset.done @!p0 $0x0  }
0x86: {  	s14 =	sadd.s32 @!p0 s6, s14;
	[sflag:s16] =	ssyncadd.s32 @!p0 $0xFFFFD400  }
0x87: {  	[tilespmem:s10], [sflag:$0x5] =	stream.linear.gather @!p0 [hbm4b:s14+s11], $0x80, $0x38;
	[tilespmem:$0x1FC00] =	vst v63  }
0x88: {  	s10 =	sadd.s32 @!p0 $0xFFFFFF80, s30  }
0x89: {  	[tilespmem:s13], [sflag:$0x2] =	stream.indirect.gather @!p0 [hbm4b:s1+s12], $0x80, s10, s12, $0xb8;
	[tilespmem:$0x1FC00] =	vst v63  }
0x8a: {  	_ =	swait.ge [sflag:s25], $0x80  }
0x8b: {  	[sflag:s25] =	ssyncset.done $0x0  }
0x8c: {  	[sflag:s25] =	ssyncadd.s32 $0xFFFFFF80  }
0x8d: {  	_ =	swait.ge [sflag:s26], $0x2C00  }
0x8e: {  	[sflag:s26] =	ssyncset.done $0x0  }
.Ltmp3:
0x8f: {  	[sflag:s26] =	ssyncadd.s32 $0xFFFFD400;
	(pc) =	sbr.rel @p0 .LBB2_6-.Ltmp3, $4  }
0x90: {  	[spmem:s3] =	stream.indirect.scatter.add.f32 [tilespmem:s31], [sflag:$0x7], $0x80, s29, s24, $0xb8;
	[tilespmem:$0x1FC00] =	vst v63  }
0x91: {  	_ =	swait.ge [sflag:s22], $0x2C00  }
0x92: {  	[sflag:s22] =	ssyncset.done $0x0  }
0x93: {  	[sflag:s22] =	ssyncadd.s32 $0xFFFFD400  }
0x94: {  	s10 =	sand.u32 $0xFC00, s9  }
0x95: {  	s11 =	sand.u32 $0x380, s9;
	s10 =	sadd.s32 s4, s10  }
0x96: {  	s10 =	sor.u32 s11, s10  }
0x97: {  	s10 =	sshrl.u32 s10, $0x3  }
.Ltmp4:
0x98: {  	s10 =	sadd.s32 s6, s10;
	(pc) =	sbr.rel .LBB2_4-.Ltmp4, $4  }
0x99: {  	[tilespmem:s29], [sflag:$0x6] =	stream.linear.gather [hbm4b:s10+s5], $0x80, $0x38;
	[tilespmem:$0x1FC00] =	vst v63  }
0x9a: {  	_ = 	snop  }
0x9b: {  	[tilespmem:s31], [sflag:$0x3] =	stream.indirect.gather [hbm4b:s1+s24], $0x80, s30, s24, $0xb8;
	[tilespmem:$0x1FC00] =	vst v63  }
0x9c: {  	s9 =	sadd.s32 $0x180, s9;
	s30 =	sadd.s32 $0x180, s30  }
.LBB2_7:
0x9d: {  	_ =	sfence.sel $0x180000  }
0x9e: {  	[bflag:$0x0] =	sbarrier.arrive $0xFFFF  }
0x9f: {  	_ =	strace $0x90000047  }
0xa0: {  	s0 =	stileid.u32;
	[bflag:$0x2] =	sbarrier.arrive $0xFFFF  }
0xa1: {  	p0 =	sne.s32 s0, $0x0;
	s0 =	rddreg [dreg:$0x3]  }
0xa2: {  	s0 =	sadd.s32 @!p0 $0x100000, s0  }
0xa3: {  	[sflag:s0] =	ssyncadd.tile.s32 @!p0 $0x1;
	_ =	shalt  }
.Lfunc_end2:
_tile_overlayer_lowered:
.L_overlay_start_2:
0xa4: {  	(tag) =	ssettag $0x2  }
0xa5: {  	s0 =	rddreg [dreg:$0x0];
	s2 =	stileid.u32  }
0xa6: {  	s1 =	rddreg [dreg:$0x1];
	p0 =	sne.s32 s2, $0x0  }
0xa7: {  	s3 =	rddreg [dreg:$0x2];
	[bflag:$0x3] =	sbarrier.arrive $0xFFFF;
	s2 =	simm.s32 @!p0 $0x1C07  }
0xa8: {  	[timem:s3], [sflag:s2] =	dma.local @!p0 [hbm:s0], s1  }
0xa9: {  	s0 =	simm.s32 @!p0 $0x7  }
0xaa: {  	_ =	swait.ge @!p0 [sflag:s0], s1  }
0xab: {  	s1 =	ssub.s32 @!p0 $0x0, s1;
	[sflag:s0] =	ssyncset.done @!p0 $0x0  }
0xac: {  	[sflag:s0] =	ssyncadd.s32 @!p0 s1  }
0xad: {  	[bflag:$0x3] =	sbarrier.arrive $0xFFFF  }
0xae: {  	_ =	shalt  }

</sc_bundles>
